<compile_context>
chip_gen: v7x
topology: tpu7x:2x2x1
jax: 0.10.2.dev20260603
libtpu: 0.0.44.dev20260713+nightly
codegen_flags: <defaults>
</compile_context>

<pallas_src>
import functools

import jax
import jax.numpy as jnp
from jax import lax
from jax.experimental import pallas as pl
from jax.experimental.pallas import tpu as pltpu
from jax.experimental.pallas import tpu_sc as plsc

NC = 2
NS = 16
NW = NC * NS
LANE = 128
CH = 126 * LANE


@functools.lru_cache(maxsize=None)
def _build(S, D, B, V):
    CPW = D // NW
    vmain = (V // LANE) * LANE
    VP = vmain + LANE
    nch = vmain // CH
    assert nch * CH == vmain and nch % 2 == 0 and CPW == 2
    mesh = plsc.VectorSubcoreMesh(core_axis_name="c", subcore_axis_name="s")

    @functools.partial(
        pl.kernel,
        mesh=mesh,
        compiler_params=pltpu.CompilerParams(use_tc_tiling_on_sc=True),
        out_type=(
            jax.ShapeDtypeStruct((S, D, B), jnp.float32),
            jax.ShapeDtypeStruct((D * VP,), jnp.float32),
        ),
        scratch_types=[
            [pltpu.VMEM((CH,), jnp.float32)] * 2,
            [pltpu.VMEM((B,), jnp.int32)] * 4,
            [pltpu.VMEM((B,), jnp.float32)] * 4,
            [pltpu.SemaphoreType.DMA] * 2,
            [pltpu.SemaphoreType.DMA] * 4,
            [pltpu.SemaphoreType.DMA] * 4,
            [pltpu.SemaphoreType.DMA] * 4,
        ],
    )
    def emb(wt_hbm, wtail_hbm, idx_hbm, out_hbm, flat_hbm,
            ubuf, idx_v, gbuf, usems, gsems, isems, osems):
        wid = lax.axis_index("s") * NC + lax.axis_index("c")

        def uload(c, i, b):
            pltpu.async_copy(
                wt_hbm.at[c].at[pl.ds(i * CH, CH)], ubuf[b], usems[b]
            )

        def ustore(c, i, b):
            pltpu.make_async_copy(
                flat_hbm.at[pl.ds(0, CH)], ubuf[b], usems[b]
            ).wait()
            off = pl.multiple_of(c * VP + i * CH, LANE)
            pltpu.sync_copy(ubuf[b], flat_hbm.at[pl.ds(off, CH)])

        def utail(c):
            pltpu.sync_copy(wtail_hbm.at[c], ubuf[0].at[pl.ds(0, LANE)])
            off = pl.multiple_of(c * VP + vmain, LANE)
            pltpu.sync_copy(
                ubuf[0].at[pl.ds(0, LANE)],
                flat_hbm.at[pl.ds(off, LANE)],
            )

        def ifire(s, b):
            pltpu.async_copy(idx_hbm.at[s], idx_v[b], isems[b])

        def iwait(b):
            pltpu.make_async_copy(idx_hbm.at[0], idx_v[b], isems[b]).wait()

        def gfire(c, b):
            off = pl.multiple_of(c * VP, LANE)
            pltpu.async_copy(
                flat_hbm.at[pl.ds(off, VP)].at[idx_v[b]],
                gbuf[b], gsems[b],
            )

        def gwait(b):
            pltpu.make_async_copy(
                flat_hbm.at[pl.ds(0, B)], gbuf[b], gsems[b]
            ).wait()

        def ofire(s, c, b):
            pltpu.async_copy(gbuf[b], out_hbm.at[s].at[c], osems[b])

        def owait(b):
            pltpu.make_async_copy(
                flat_hbm.at[pl.ds(0, B)], gbuf[b], osems[b]
            ).wait()

        c0 = wid * CPW
        c1 = c0 + 1

        uload(c0, 0, 0)
        uload(c0, 1, 1)

        def p1(gi, carry):
            for b in range(2):
                i = 2 * gi + b
                ustore(c0, i, b)

                @pl.when(i + 2 < nch)
                def _():
                    uload(c0, i + 2, b)
            return carry

        lax.fori_loop(0, nch // 2, p1, 0)
        utail(c0)

        uload(c1, 0, 0)
        uload(c1, 1, 1)
        ifire(0, 0)

        def p2(gi, carry):
            for b in range(2):
                m = 2 * gi + b
                ustore(c1, m, b)

                @pl.when(m + 2 < nch)
                def _():
                    uload(c1, m + 2, b)

                @pl.when(m < S)
                def _():
                    iwait(b)

                @pl.when(jnp.logical_and(2 <= m, m < S))
                def _():
                    owait(b)

                @pl.when(m < S)
                def _():
                    gfire(c0, b)

                @pl.when(jnp.logical_and(1 <= m, m <= S))
                def _():
                    gwait(1 - b)
                    ofire(m - 1, c0, 1 - b)

                @pl.when(m + 1 < S)
                def _():
                    ifire(m + 1, 1 - b)
            return carry

        lax.fori_loop(0, nch // 2, p2, 0)
        utail(c1)

        NB = 4
        for r0 in range(NB):
            ifire(r0, r0)
        for r0 in range(NB - 1):
            if r0 < 2:
                owait(r0)
            iwait(r0)
            gfire(c1, r0)

        def p3(gi, carry):
            for b in range(NB):
                r = NB * gi + b
                b3 = (b + NB - 1) % NB

                @pl.when(jnp.logical_and(r + NB - 1 < S, r >= 1))
                def _():
                    owait(b3)
                    iwait(b3)
                    gfire(c1, b3)

                @pl.when(jnp.logical_and(r + NB - 1 < S, r < 1))
                def _():
                    iwait(b3)
                    gfire(c1, b3)

                @pl.when(r < S)
                def _():
                    gwait(b)
                    ofire(r, c1, b)

                @pl.when(r + NB < S)
                def _():
                    ifire(r + NB, b)
            return carry

        lax.fori_loop(0, (S + NB - 1) // NB, p3, 0)
        for k in range(NB):
            owait(k)

    return emb


def kernel(x, W):
    B, S = x.shape
    V, D = W.shape
    wt = W.T
    wtail = jnp.pad(W[(V // LANE) * LANE:], ((0, LANE - V % LANE), (0, 0))).T
    idxt = x.T
    out3, _ = _build(S, D, B, V)(wt, wtail, idxt)
    return out3.transpose(2, 0, 1)

# --- scband reference (transcript-rebuilt; emitter-appended) ---
"""Pipeline reference for scband-word-embedding-layer-65584150610609 (READ-ONLY COPY).

The authoritative reference and input builder live on the scoring server;
editing this copy changes nothing except your own understanding.
"""

import jax, jax.numpy as jnp
import numpy as np

VOCAB = 1000000
EMBED_DIM = 64
BATCH = 4096
SEQ = 50

def setup_inputs(seed: int = 0) -> dict:
    key = jax.random.key(seed)
    k_idx, k_w = jax.random.split(key)
    # token indices (forward arg)
    x = jax.random.randint(k_idx, (BATCH, SEQ), 0, VOCAB, dtype=jnp.int32)
    # learned parameter: embedding table (copied from pretrained word2vec in original)
    W = jax.random.normal(k_w, (VOCAB, EMBED_DIM), dtype=jnp.float32) * 0.1
    return {"x": x, "W": W}

def reference(x, W):
    # self.embed(x): embedding lookup (padding_idx=0 only affects grads, not fwd since
    # the original copies the full pretrained matrix W into the weight)
    embedding = jnp.take(W, x, axis=0)
    # self.dropout(embedding) with p=0.0 / eval mode -> identity
    return embedding

if __name__ == "__main__":
    import jax
    _d = setup_inputs()
    print(jax.jit(kernel)(*tuple(_d.values())))

</pallas_src>

<mosaic_0001>
#map = affine_map<(d0, d1) -> (0, 0)>
#map1 = affine_map<(d0, d1) -> (0, 0, 0)>
#map2 = affine_map<(d0, d1) -> (0)>
module attributes {stable_mosaic.version = 14 : i64} {
  func.func @emb(%arg0: i32, %arg1: i32, %arg2: memref<64x1000000xf32, #tpu.memory_space<hbm>>, %arg3: memref<64x128xf32, #tpu.memory_space<hbm>>, %arg4: memref<50x4096xi32, #tpu.memory_space<hbm>>, %arg5: memref<50x64x4096xf32, #tpu.memory_space<hbm>>, %arg6: memref<64004096xf32, #tpu.memory_space<hbm>>, %arg7: memref<16128xf32, #tpu.memory_space<vmem>>, %arg8: memref<16128xf32, #tpu.memory_space<vmem>>, %arg9: memref<4096xi32, #tpu.memory_space<vmem>>, %arg10: memref<4096xi32, #tpu.memory_space<vmem>>, %arg11: memref<4096xi32, #tpu.memory_space<vmem>>, %arg12: memref<4096xi32, #tpu.memory_space<vmem>>, %arg13: memref<4096xf32, #tpu.memory_space<vmem>>, %arg14: memref<4096xf32, #tpu.memory_space<vmem>>, %arg15: memref<4096xf32, #tpu.memory_space<vmem>>, %arg16: memref<4096xf32, #tpu.memory_space<vmem>>, %arg17: memref<!tpu.dma_semaphore, #tpu.memory_space<semaphore_mem>>, %arg18: memref<!tpu.dma_semaphore, #tpu.memory_space<semaphore_mem>>, %arg19: memref<!tpu.dma_semaphore, #tpu.memory_space<semaphore_mem>>, %arg20: memref<!tpu.dma_semaphore, #tpu.memory_space<semaphore_mem>>, %arg21: memref<!tpu.dma_semaphore, #tpu.memory_space<semaphore_mem>>, %arg22: memref<!tpu.dma_semaphore, #tpu.memory_space<semaphore_mem>>, %arg23: memref<!tpu.dma_semaphore, #tpu.memory_space<semaphore_mem>>, %arg24: memref<!tpu.dma_semaphore, #tpu.memory_space<semaphore_mem>>, %arg25: memref<!tpu.dma_semaphore, #tpu.memory_space<semaphore_mem>>, %arg26: memref<!tpu.dma_semaphore, #tpu.memory_space<semaphore_mem>>, %arg27: memref<!tpu.dma_semaphore, #tpu.memory_space<semaphore_mem>>, %arg28: memref<!tpu.dma_semaphore, #tpu.memory_space<semaphore_mem>>, %arg29: memref<!tpu.dma_semaphore, #tpu.memory_space<semaphore_mem>>, %arg30: memref<!tpu.dma_semaphore, #tpu.memory_space<semaphore_mem>>) attributes {dimension_semantics = [#tpu.dimension_semantics<core_parallel>, #tpu.dimension_semantics<subcore_parallel>], iteration_bounds = array<i64: 2, 16>, scalar_prefetch = 0 : i64, scratch_operands = 24 : i64, tpu.core_type = #tpu.core_type<sc_vector_subcore>, window_params = [{transform_indices = #map}, {transform_indices = #map}, {transform_indices = #map}, {transform_indices = #map1}, {transform_indices = #map2}]} {
    %mul3A = arith.constant 2 : i32
    %mul3A_0 = arith.muli %arg1, %mul3A : i32
    %add3A = arith.addi %mul3A_0, %arg0 : i32
    %mul3A_1 = arith.constant 2 : i32
    %mul3A_2 = arith.muli %add3A, %mul3A_1 : i32
    %add3A_3 = arith.constant 1 : i32
    %add3A_4 = arith.addi %mul3A_2, %add3A_3 : i32
    %dma_start3A = arith.constant 0 : i32
    %dma_start3A_5 = tpu.memref_slice %arg2[%mul3A_2, %dma_start3A] : memref<64x1000000xf32, #tpu.memory_space<hbm>> -> memref<1x1000000xf32, #tpu.memory_space<hbm>>
    %dma_start3A_6 = tpu.memref_squeeze %dma_start3A_5 : memref<1x1000000xf32, #tpu.memory_space<hbm>> -> memref<1000000xf32, #tpu.memory_space<hbm>>
    %dma_start3A_7 = arith.constant 0 : i32
    %dma_start3A_8 = tpu.memref_slice %dma_start3A_6[%dma_start3A_7] : memref<1000000xf32, #tpu.memory_space<hbm>> -> memref<16128xf32, #tpu.memory_space<hbm>>
    %dma_start3A_9 = arith.constant 0 : i32
    %dma_start3A_10 = tpu.memref_slice %arg2[%mul3A_2, %dma_start3A_9] : memref<64x1000000xf32, #tpu.memory_space<hbm>> -> memref<1x1000000xf32, #tpu.memory_space<hbm>>
    %dma_start3A_11 = tpu.memref_squeeze %dma_start3A_10 : memref<1x1000000xf32, #tpu.memory_space<hbm>> -> memref<1000000xf32, #tpu.memory_space<hbm>>
    %dma_start3A_12 = arith.constant 0 : i32
    %dma_start3A_13 = tpu.memref_slice %dma_start3A_11[%dma_start3A_12] : memref<1000000xf32, #tpu.memory_space<hbm>> -> memref<16128xf32, #tpu.memory_space<hbm>>
    tpu.enqueue_dma source(%dma_start3A_13 : memref<16128xf32, #tpu.memory_space<hbm>>) target(%arg7 : memref<16128xf32, #tpu.memory_space<vmem>>) target_semaphore(%arg17 : memref<!tpu.dma_semaphore, #tpu.memory_space<semaphore_mem>>)
    %dma_start3A_14 = arith.constant 0 : i32
    %dma_start3A_15 = tpu.memref_slice %arg2[%mul3A_2, %dma_start3A_14] : memref<64x1000000xf32, #tpu.memory_space<hbm>> -> memref<1x1000000xf32, #tpu.memory_space<hbm>>
    %dma_start3A_16 = tpu.memref_squeeze %dma_start3A_15 : memref<1x1000000xf32, #tpu.memory_space<hbm>> -> memref<1000000xf32, #tpu.memory_space<hbm>>
    %dma_start3A_17 = arith.constant 16128 : i32
    %dma_start3A_18 = tpu.memref_slice %dma_start3A_16[%dma_start3A_17] : memref<1000000xf32, #tpu.memory_space<hbm>> -> memref<16128xf32, #tpu.memory_space<hbm>>
    %dma_start3A_19 = arith.constant 0 : i32
    %dma_start3A_20 = tpu.memref_slice %arg2[%mul3A_2, %dma_start3A_19] : memref<64x1000000xf32, #tpu.memory_space<hbm>> -> memref<1x1000000xf32, #tpu.memory_space<hbm>>
    %dma_start3A_21 = tpu.memref_squeeze %dma_start3A_20 : memref<1x1000000xf32, #tpu.memory_space<hbm>> -> memref<1000000xf32, #tpu.memory_space<hbm>>
    %dma_start3A_22 = arith.constant 16128 : i32
    %dma_start3A_23 = tpu.memref_slice %dma_start3A_21[%dma_start3A_22] : memref<1000000xf32, #tpu.memory_space<hbm>> -> memref<16128xf32, #tpu.memory_space<hbm>>
    tpu.enqueue_dma source(%dma_start3A_23 : memref<16128xf32, #tpu.memory_space<hbm>>) target(%arg8 : memref<16128xf32, #tpu.memory_space<vmem>>) target_semaphore(%arg18 : memref<!tpu.dma_semaphore, #tpu.memory_space<semaphore_mem>>)
    %scan3A = arith.constant 0 : i32
    %scan3A_24 = arith.constant 0 : i32
    %scan3A_25 = arith.constant 31 : i32
    %scan3A_26 = arith.addi %scan3A_24, %scan3A_25 : i32
    %scan3A_27 = arith.constant 1 : i32
    scf.for %scan3A_167 = %scan3A_24 to %scan3A_26 step %scan3A_27  : i32 {
      %mul3A_168 = arith.constant 2 : i32
      %mul3A_169 = arith.muli %mul3A_168, %scan3A_167 : i32
      %add3A_170 = arith.constant 0 : i32
      %add3A_171 = arith.addi %mul3A_169, %add3A_170 : i32
      %dma_wait3A_172 = arith.constant 0 : i32
      %dma_wait3A_173 = tpu.memref_slice %arg6[%dma_wait3A_172] : memref<64004096xf32, #tpu.memory_space<hbm>> -> memref<16128xf32, #tpu.memory_space<hbm>>
      %dma_wait3A_174 = arith.constant 0 : i32
      %dma_wait3A_175 = tpu.memref_slice %arg6[%dma_wait3A_174] : memref<64004096xf32, #tpu.memory_space<hbm>> -> memref<16128xf32, #tpu.memory_space<hbm>>
      tpu.wait_dma2 semaphore(%arg17 : memref<!tpu.dma_semaphore, #tpu.memory_space<semaphore_mem>>) src(%dma_wait3A_175 : memref<16128xf32, #tpu.memory_space<hbm>>) dst(%arg7 : memref<16128xf32, #tpu.memory_space<vmem>>)
      %mul3A_176 = arith.constant 1000064 : i32
      %mul3A_177 = arith.muli %mul3A_2, %mul3A_176 : i32
      %mul3A_178 = arith.constant 16128 : i32
      %mul3A_179 = arith.muli %add3A_171, %mul3A_178 : i32
      %add3A_180 = arith.addi %mul3A_177, %mul3A_179 : i32
      %multiple_of3A_181 = tpu.assume_multiple %add3A_180, 128 : i32
      "tpu.region"() ({
        %run_scoped3A = tpu.sem_alloc : memref<!tpu.dma_semaphore, #tpu.memory_space<semaphore_mem>>
        %dma_start3A_207 = tpu.memref_slice %arg6[%multiple_of3A_181] : memref<64004096xf32, #tpu.memory_space<hbm>> -> memref<16128xf32, #tpu.memory_space<hbm>>
        %dma_start3A_208 = tpu.memref_slice %arg6[%multiple_of3A_181] : memref<64004096xf32, #tpu.memory_space<hbm>> -> memref<16128xf32, #tpu.memory_space<hbm>>
        tpu.enqueue_dma source(%arg7 : memref<16128xf32, #tpu.memory_space<vmem>>) target(%dma_start3A_208 : memref<16128xf32, #tpu.memory_space<hbm>>) target_semaphore(%run_scoped3A : memref<!tpu.dma_semaphore, #tpu.memory_space<semaphore_mem>>)
        %dma_wait3A_209 = tpu.memref_slice %arg6[%multiple_of3A_181] : memref<64004096xf32, #tpu.memory_space<hbm>> -> memref<16128xf32, #tpu.memory_space<hbm>>
        %dma_wait3A_210 = tpu.memref_slice %arg6[%multiple_of3A_181] : memref<64004096xf32, #tpu.memory_space<hbm>> -> memref<16128xf32, #tpu.memory_space<hbm>>
        tpu.wait_dma2 semaphore(%run_scoped3A : memref<!tpu.dma_semaphore, #tpu.memory_space<semaphore_mem>>) src(%arg7 : memref<16128xf32, #tpu.memory_space<vmem>>) dst(%dma_wait3A_210 : memref<16128xf32, #tpu.memory_space<hbm>>)
        tpu.yield
      }) : () -> ()
      %add3A_182 = arith.constant 2 : i32
      %add3A_183 = arith.addi %add3A_171, %add3A_182 : i32
      %lt3A = arith.constant 62 : i32
      %lt3A_184 = arith.cmpi slt, %add3A_183, %lt3A : i32
      %convert_element_type3A = arith.extui %lt3A_184 : i1 to i32
      %cond3A = arith.constant 0 : i32
      %cond3A_185 = arith.cmpi ne, %convert_element_type3A, %cond3A : i32
      scf.if %cond3A_185 {
        %add3A_207 = arith.constant 2 : i32
        %add3A_208 = arith.addi %add3A_171, %add3A_207 : i32
        %mul3A_209 = arith.constant 16128 : i32
        %mul3A_210 = arith.muli %add3A_208, %mul3A_209 : i32
        %dma_start3A_211 = arith.constant 0 : i32
        %dma_start3A_212 = tpu.memref_slice %arg2[%mul3A_2, %dma_start3A_211] : memref<64x1000000xf32, #tpu.memory_space<hbm>> -> memref<1x1000000xf32, #tpu.memory_space<hbm>>
        %dma_start3A_213 = tpu.memref_squeeze %dma_start3A_212 : memref<1x1000000xf32, #tpu.memory_space<hbm>> -> memref<1000000xf32, #tpu.memory_space<hbm>>
        %dma_start3A_214 = tpu.memref_slice %dma_start3A_213[%mul3A_210] : memref<1000000xf32, #tpu.memory_space<hbm>> -> memref<16128xf32, #tpu.memory_space<hbm>>
        %dma_start3A_215 = arith.constant 0 : i32
        %dma_start3A_216 = tpu.memref_slice %arg2[%mul3A_2, %dma_start3A_215] : memref<64x1000000xf32, #tpu.memory_space<hbm>> -> memref<1x1000000xf32, #tpu.memory_space<hbm>>
        %dma_start3A_217 = tpu.memref_squeeze %dma_start3A_216 : memref<1x1000000xf32, #tpu.memory_space<hbm>> -> memref<1000000xf32, #tpu.memory_space<hbm>>
        %dma_start3A_218 = tpu.memref_slice %dma_start3A_217[%mul3A_210] : memref<1000000xf32, #tpu.memory_space<hbm>> -> memref<16128xf32, #tpu.memory_space<hbm>>
        tpu.enqueue_dma source(%dma_start3A_218 : memref<16128xf32, #tpu.memory_space<hbm>>) target(%arg7 : memref<16128xf32, #tpu.memory_space<vmem>>) target_semaphore(%arg17 : memref<!tpu.dma_semaphore, #tpu.memory_space<semaphore_mem>>)
      } else {
      }
      %mul3A_186 = arith.constant 2 : i32
      %mul3A_187 = arith.muli %mul3A_186, %scan3A_167 : i32
      %add3A_188 = arith.constant 1 : i32
      %add3A_189 = arith.addi %mul3A_187, %add3A_188 : i32
      %dma_wait3A_190 = arith.constant 0 : i32
      %dma_wait3A_191 = tpu.memref_slice %arg6[%dma_wait3A_190] : memref<64004096xf32, #tpu.memory_space<hbm>> -> memref<16128xf32, #tpu.memory_space<hbm>>
      %dma_wait3A_192 = arith.constant 0 : i32
      %dma_wait3A_193 = tpu.memref_slice %arg6[%dma_wait3A_192] : memref<64004096xf32, #tpu.memory_space<hbm>> -> memref<16128xf32, #tpu.memory_space<hbm>>
      tpu.wait_dma2 semaphore(%arg18 : memref<!tpu.dma_semaphore, #tpu.memory_space<semaphore_mem>>) src(%dma_wait3A_193 : memref<16128xf32, #tpu.memory_space<hbm>>) dst(%arg8 : memref<16128xf32, #tpu.memory_space<vmem>>)
      %mul3A_194 = arith.constant 1000064 : i32
      %mul3A_195 = arith.muli %mul3A_2, %mul3A_194 : i32
      %mul3A_196 = arith.constant 16128 : i32
      %mul3A_197 = arith.muli %add3A_189, %mul3A_196 : i32
      %add3A_198 = arith.addi %mul3A_195, %mul3A_197 : i32
      %multiple_of3A_199 = tpu.assume_multiple %add3A_198, 128 : i32
      "tpu.region"() ({
        %run_scoped3A = tpu.sem_alloc : memref<!tpu.dma_semaphore, #tpu.memory_space<semaphore_mem>>
        %dma_start3A_207 = tpu.memref_slice %arg6[%multiple_of3A_199] : memref<64004096xf32, #tpu.memory_space<hbm>> -> memref<16128xf32, #tpu.memory_space<hbm>>
        %dma_start3A_208 = tpu.memref_slice %arg6[%multiple_of3A_199] : memref<64004096xf32, #tpu.memory_space<hbm>> -> memref<16128xf32, #tpu.memory_space<hbm>>
        tpu.enqueue_dma source(%arg8 : memref<16128xf32, #tpu.memory_space<vmem>>) target(%dma_start3A_208 : memref<16128xf32, #tpu.memory_space<hbm>>) target_semaphore(%run_scoped3A : memref<!tpu.dma_semaphore, #tpu.memory_space<semaphore_mem>>)
        %dma_wait3A_209 = tpu.memref_slice %arg6[%multiple_of3A_199] : memref<64004096xf32, #tpu.memory_space<hbm>> -> memref<16128xf32, #tpu.memory_space<hbm>>
        %dma_wait3A_210 = tpu.memref_slice %arg6[%multiple_of3A_199] : memref<64004096xf32, #tpu.memory_space<hbm>> -> memref<16128xf32, #tpu.memory_space<hbm>>
        tpu.wait_dma2 semaphore(%run_scoped3A : memref<!tpu.dma_semaphore, #tpu.memory_space<semaphore_mem>>) src(%arg8 : memref<16128xf32, #tpu.memory_space<vmem>>) dst(%dma_wait3A_210 : memref<16128xf32, #tpu.memory_space<hbm>>)
        tpu.yield
      }) : () -> ()
      %add3A_200 = arith.constant 2 : i32
      %add3A_201 = arith.addi %add3A_189, %add3A_200 : i32
      %lt3A_202 = arith.constant 62 : i32
      %lt3A_203 = arith.cmpi slt, %add3A_201, %lt3A_202 : i32
      %convert_element_type3A_204 = arith.extui %lt3A_203 : i1 to i32
      %cond3A_205 = arith.constant 0 : i32
      %cond3A_206 = arith.cmpi ne, %convert_element_type3A_204, %cond3A_205 : i32
      scf.if %cond3A_206 {
        %add3A_207 = arith.constant 2 : i32
        %add3A_208 = arith.addi %add3A_189, %add3A_207 : i32
        %mul3A_209 = arith.constant 16128 : i32
        %mul3A_210 = arith.muli %add3A_208, %mul3A_209 : i32
        %dma_start3A_211 = arith.constant 0 : i32
        %dma_start3A_212 = tpu.memref_slice %arg2[%mul3A_2, %dma_start3A_211] : memref<64x1000000xf32, #tpu.memory_space<hbm>> -> memref<1x1000000xf32, #tpu.memory_space<hbm>>
        %dma_start3A_213 = tpu.memref_squeeze %dma_start3A_212 : memref<1x1000000xf32, #tpu.memory_space<hbm>> -> memref<1000000xf32, #tpu.memory_space<hbm>>
        %dma_start3A_214 = tpu.memref_slice %dma_start3A_213[%mul3A_210] : memref<1000000xf32, #tpu.memory_space<hbm>> -> memref<16128xf32, #tpu.memory_space<hbm>>
        %dma_start3A_215 = arith.constant 0 : i32
        %dma_start3A_216 = tpu.memref_slice %arg2[%mul3A_2, %dma_start3A_215] : memref<64x1000000xf32, #tpu.memory_space<hbm>> -> memref<1x1000000xf32, #tpu.memory_space<hbm>>
        %dma_start3A_217 = tpu.memref_squeeze %dma_start3A_216 : memref<1x1000000xf32, #tpu.memory_space<hbm>> -> memref<1000000xf32, #tpu.memory_space<hbm>>
        %dma_start3A_218 = tpu.memref_slice %dma_start3A_217[%mul3A_210] : memref<1000000xf32, #tpu.memory_space<hbm>> -> memref<16128xf32, #tpu.memory_space<hbm>>
        tpu.enqueue_dma source(%dma_start3A_218 : memref<16128xf32, #tpu.memory_space<hbm>>) target(%arg8 : memref<16128xf32, #tpu.memory_space<vmem>>) target_semaphore(%arg18 : memref<!tpu.dma_semaphore, #tpu.memory_space<semaphore_mem>>)
      } else {
      }
    }
    %scan3A_28 = arith.constant 31 : i32
    "tpu.region"() ({
      %run_scoped3A = tpu.sem_alloc : memref<!tpu.dma_semaphore, #tpu.memory_space<semaphore_mem>>
      %dma_start3A_167 = arith.constant 0 : i32
      %dma_start3A_168 = tpu.memref_slice %arg7[%dma_start3A_167] : memref<16128xf32, #tpu.memory_space<vmem>> -> memref<128xf32, #tpu.memory_space<vmem>>
      %dma_start3A_169 = arith.constant 0 : i32
      %dma_start3A_170 = tpu.memref_slice %arg3[%mul3A_2, %dma_start3A_169] : memref<64x128xf32, #tpu.memory_space<hbm>> -> memref<1x128xf32, #tpu.memory_space<hbm>>
      %dma_start3A_171 = tpu.memref_squeeze %dma_start3A_170 : memref<1x128xf32, #tpu.memory_space<hbm>> -> memref<128xf32, #tpu.memory_space<hbm>>
      %dma_start3A_172 = arith.constant 0 : i32
      %dma_start3A_173 = tpu.memref_slice %arg7[%dma_start3A_172] : memref<16128xf32, #tpu.memory_space<vmem>> -> memref<128xf32, #tpu.memory_space<vmem>>
      %dma_start3A_174 = arith.constant 0 : i32
      %dma_start3A_175 = tpu.memref_slice %arg3[%mul3A_2, %dma_start3A_174] : memref<64x128xf32, #tpu.memory_space<hbm>> -> memref<1x128xf32, #tpu.memory_space<hbm>>
      %dma_start3A_176 = tpu.memref_squeeze %dma_start3A_175 : memref<1x128xf32, #tpu.memory_space<hbm>> -> memref<128xf32, #tpu.memory_space<hbm>>
      tpu.enqueue_dma source(%dma_start3A_176 : memref<128xf32, #tpu.memory_space<hbm>>) target(%dma_start3A_173 : memref<128xf32, #tpu.memory_space<vmem>>) target_semaphore(%run_scoped3A : memref<!tpu.dma_semaphore, #tpu.memory_space<semaphore_mem>>)
      %dma_wait3A_177 = arith.constant 0 : i32
      %dma_wait3A_178 = tpu.memref_slice %arg7[%dma_wait3A_177] : memref<16128xf32, #tpu.memory_space<vmem>> -> memref<128xf32, #tpu.memory_space<vmem>>
      %dma_wait3A_179 = arith.constant 0 : i32
      %dma_wait3A_180 = tpu.memref_slice %arg3[%mul3A_2, %dma_wait3A_179] : memref<64x128xf32, #tpu.memory_space<hbm>> -> memref<1x128xf32, #tpu.memory_space<hbm>>
      %dma_wait3A_181 = tpu.memref_squeeze %dma_wait3A_180 : memref<1x128xf32, #tpu.memory_space<hbm>> -> memref<128xf32, #tpu.memory_space<hbm>>
      %dma_wait3A_182 = arith.constant 0 : i32
      %dma_wait3A_183 = tpu.memref_slice %arg7[%dma_wait3A_182] : memref<16128xf32, #tpu.memory_space<vmem>> -> memref<128xf32, #tpu.memory_space<vmem>>
      %dma_wait3A_184 = arith.constant 0 : i32
      %dma_wait3A_185 = tpu.memref_slice %arg3[%mul3A_2, %dma_wait3A_184] : memref<64x128xf32, #tpu.memory_space<hbm>> -> memref<1x128xf32, #tpu.memory_space<hbm>>
      %dma_wait3A_186 = tpu.memref_squeeze %dma_wait3A_185 : memref<1x128xf32, #tpu.memory_space<hbm>> -> memref<128xf32, #tpu.memory_space<hbm>>
      tpu.wait_dma2 semaphore(%run_scoped3A : memref<!tpu.dma_semaphore, #tpu.memory_space<semaphore_mem>>) src(%dma_wait3A_186 : memref<128xf32, #tpu.memory_space<hbm>>) dst(%dma_wait3A_183 : memref<128xf32, #tpu.memory_space<vmem>>)
      tpu.yield
    }) : () -> ()
    %mul3A_29 = arith.constant 1000064 : i32
    %mul3A_30 = arith.muli %mul3A_2, %mul3A_29 : i32
    %add3A_31 = arith.constant 999936 : i32
    %add3A_32 = arith.addi %mul3A_30, %add3A_31 : i32
    %multiple_of3A = tpu.assume_multiple %add3A_32, 128 : i32
    "tpu.region"() ({
      %run_scoped3A = tpu.sem_alloc : memref<!tpu.dma_semaphore, #tpu.memory_space<semaphore_mem>>
      %dma_start3A_167 = arith.constant 0 : i32
      %dma_start3A_168 = tpu.memref_slice %arg7[%dma_start3A_167] : memref<16128xf32, #tpu.memory_space<vmem>> -> memref<128xf32, #tpu.memory_space<vmem>>
      %dma_start3A_169 = tpu.memref_slice %arg6[%multiple_of3A] : memref<64004096xf32, #tpu.memory_space<hbm>> -> memref<128xf32, #tpu.memory_space<hbm>>
      %dma_start3A_170 = tpu.memref_slice %arg6[%multiple_of3A] : memref<64004096xf32, #tpu.memory_space<hbm>> -> memref<128xf32, #tpu.memory_space<hbm>>
      %dma_start3A_171 = arith.constant 0 : i32
      %dma_start3A_172 = tpu.memref_slice %arg7[%dma_start3A_171] : memref<16128xf32, #tpu.memory_space<vmem>> -> memref<128xf32, #tpu.memory_space<vmem>>
      tpu.enqueue_dma source(%dma_start3A_172 : memref<128xf32, #tpu.memory_space<vmem>>) target(%dma_start3A_170 : memref<128xf32, #tpu.memory_space<hbm>>) target_semaphore(%run_scoped3A : memref<!tpu.dma_semaphore, #tpu.memory_space<semaphore_mem>>)
      %dma_wait3A_173 = arith.constant 0 : i32
      %dma_wait3A_174 = tpu.memref_slice %arg7[%dma_wait3A_173] : memref<16128xf32, #tpu.memory_space<vmem>> -> memref<128xf32, #tpu.memory_space<vmem>>
      %dma_wait3A_175 = tpu.memref_slice %arg6[%multiple_of3A] : memref<64004096xf32, #tpu.memory_space<hbm>> -> memref<128xf32, #tpu.memory_space<hbm>>
      %dma_wait3A_176 = tpu.memref_slice %arg6[%multiple_of3A] : memref<64004096xf32, #tpu.memory_space<hbm>> -> memref<128xf32, #tpu.memory_space<hbm>>
      %dma_wait3A_177 = arith.constant 0 : i32
      %dma_wait3A_178 = tpu.memref_slice %arg7[%dma_wait3A_177] : memref<16128xf32, #tpu.memory_space<vmem>> -> memref<128xf32, #tpu.memory_space<vmem>>
      tpu.wait_dma2 semaphore(%run_scoped3A : memref<!tpu.dma_semaphore, #tpu.memory_space<semaphore_mem>>) src(%dma_wait3A_178 : memref<128xf32, #tpu.memory_space<vmem>>) dst(%dma_wait3A_176 : memref<128xf32, #tpu.memory_space<hbm>>)
      tpu.yield
    }) : () -> ()
    %dma_start3A_33 = arith.constant 0 : i32
    %dma_start3A_34 = tpu.memref_slice %arg2[%add3A_4, %dma_start3A_33] : memref<64x1000000xf32, #tpu.memory_space<hbm>> -> memref<1x1000000xf32, #tpu.memory_space<hbm>>
    %dma_start3A_35 = tpu.memref_squeeze %dma_start3A_34 : memref<1x1000000xf32, #tpu.memory_space<hbm>> -> memref<1000000xf32, #tpu.memory_space<hbm>>
    %dma_start3A_36 = arith.constant 0 : i32
    %dma_start3A_37 = tpu.memref_slice %dma_start3A_35[%dma_start3A_36] : memref<1000000xf32, #tpu.memory_space<hbm>> -> memref<16128xf32, #tpu.memory_space<hbm>>
    %dma_start3A_38 = arith.constant 0 : i32
    %dma_start3A_39 = tpu.memref_slice %arg2[%add3A_4, %dma_start3A_38] : memref<64x1000000xf32, #tpu.memory_space<hbm>> -> memref<1x1000000xf32, #tpu.memory_space<hbm>>
    %dma_start3A_40 = tpu.memref_squeeze %dma_start3A_39 : memref<1x1000000xf32, #tpu.memory_space<hbm>> -> memref<1000000xf32, #tpu.memory_space<hbm>>
    %dma_start3A_41 = arith.constant 0 : i32
    %dma_start3A_42 = tpu.memref_slice %dma_start3A_40[%dma_start3A_41] : memref<1000000xf32, #tpu.memory_space<hbm>> -> memref<16128xf32, #tpu.memory_space<hbm>>
    tpu.enqueue_dma source(%dma_start3A_42 : memref<16128xf32, #tpu.memory_space<hbm>>) target(%arg7 : memref<16128xf32, #tpu.memory_space<vmem>>) target_semaphore(%arg17 : memref<!tpu.dma_semaphore, #tpu.memory_space<semaphore_mem>>)
    %dma_start3A_43 = arith.constant 0 : i32
    %dma_start3A_44 = tpu.memref_slice %arg2[%add3A_4, %dma_start3A_43] : memref<64x1000000xf32, #tpu.memory_space<hbm>> -> memref<1x1000000xf32, #tpu.memory_space<hbm>>
    %dma_start3A_45 = tpu.memref_squeeze %dma_start3A_44 : memref<1x1000000xf32, #tpu.memory_space<hbm>> -> memref<1000000xf32, #tpu.memory_space<hbm>>
    %dma_start3A_46 = arith.constant 16128 : i32
    %dma_start3A_47 = tpu.memref_slice %dma_start3A_45[%dma_start3A_46] : memref<1000000xf32, #tpu.memory_space<hbm>> -> memref<16128xf32, #tpu.memory_space<hbm>>
    %dma_start3A_48 = arith.constant 0 : i32
    %dma_start3A_49 = tpu.memref_slice %arg2[%add3A_4, %dma_start3A_48] : memref<64x1000000xf32, #tpu.memory_space<hbm>> -> memref<1x1000000xf32, #tpu.memory_space<hbm>>
    %dma_start3A_50 = tpu.memref_squeeze %dma_start3A_49 : memref<1x1000000xf32, #tpu.memory_space<hbm>> -> memref<1000000xf32, #tpu.memory_space<hbm>>
    %dma_start3A_51 = arith.constant 16128 : i32
    %dma_start3A_52 = tpu.memref_slice %dma_start3A_50[%dma_start3A_51] : memref<1000000xf32, #tpu.memory_space<hbm>> -> memref<16128xf32, #tpu.memory_space<hbm>>
    tpu.enqueue_dma source(%dma_start3A_52 : memref<16128xf32, #tpu.memory_space<hbm>>) target(%arg8 : memref<16128xf32, #tpu.memory_space<vmem>>) target_semaphore(%arg18 : memref<!tpu.dma_semaphore, #tpu.memory_space<semaphore_mem>>)
    %dma_start3A_53 = arith.constant 0 : i32
    %dma_start3A_54 = arith.constant 0 : i32
    %dma_start3A_55 = tpu.memref_slice %arg4[%dma_start3A_53, %dma_start3A_54] : memref<50x4096xi32, #tpu.memory_space<hbm>> -> memref<1x4096xi32, #tpu.memory_space<hbm>>
    %dma_start3A_56 = tpu.memref_squeeze %dma_start3A_55 : memref<1x4096xi32, #tpu.memory_space<hbm>> -> memref<4096xi32, #tpu.memory_space<hbm>>
    %dma_start3A_57 = arith.constant 0 : i32
    %dma_start3A_58 = tpu.memref_slice %arg4[%dma_start3A_53, %dma_start3A_57] : memref<50x4096xi32, #tpu.memory_space<hbm>> -> memref<1x4096xi32, #tpu.memory_space<hbm>>
    %dma_start3A_59 = tpu.memref_squeeze %dma_start3A_58 : memref<1x4096xi32, #tpu.memory_space<hbm>> -> memref<4096xi32, #tpu.memory_space<hbm>>
    tpu.enqueue_dma source(%dma_start3A_59 : memref<4096xi32, #tpu.memory_space<hbm>>) target(%arg9 : memref<4096xi32, #tpu.memory_space<vmem>>) target_semaphore(%arg23 : memref<!tpu.dma_semaphore, #tpu.memory_space<semaphore_mem>>)
    %scan3A_60 = arith.constant 0 : i32
    %scan3A_61 = arith.constant 0 : i32
    %scan3A_62 = arith.constant 31 : i32
    %scan3A_63 = arith.addi %scan3A_61, %scan3A_62 : i32
    %scan3A_64 = arith.constant 1 : i32
    scf.for %scan3A_167 = %scan3A_61 to %scan3A_63 step %scan3A_64  : i32 {
      %mul3A_168 = arith.constant 2 : i32
      %mul3A_169 = arith.muli %mul3A_168, %scan3A_167 : i32
      %add3A_170 = arith.constant 0 : i32
      %add3A_171 = arith.addi %mul3A_169, %add3A_170 : i32
      %dma_wait3A_172 = arith.constant 0 : i32
      %dma_wait3A_173 = tpu.memref_slice %arg6[%dma_wait3A_172] : memref<64004096xf32, #tpu.memory_space<hbm>> -> memref<16128xf32, #tpu.memory_space<hbm>>
      %dma_wait3A_174 = arith.constant 0 : i32
      %dma_wait3A_175 = tpu.memref_slice %arg6[%dma_wait3A_174] : memref<64004096xf32, #tpu.memory_space<hbm>> -> memref<16128xf32, #tpu.memory_space<hbm>>
      tpu.wait_dma2 semaphore(%arg17 : memref<!tpu.dma_semaphore, #tpu.memory_space<semaphore_mem>>) src(%dma_wait3A_175 : memref<16128xf32, #tpu.memory_space<hbm>>) dst(%arg7 : memref<16128xf32, #tpu.memory_space<vmem>>)
      %mul3A_176 = arith.constant 1000064 : i32
      %mul3A_177 = arith.muli %add3A_4, %mul3A_176 : i32
      %mul3A_178 = arith.constant 16128 : i32
      %mul3A_179 = arith.muli %add3A_171, %mul3A_178 : i32
      %add3A_180 = arith.addi %mul3A_177, %mul3A_179 : i32
      %multiple_of3A_181 = tpu.assume_multiple %add3A_180, 128 : i32
      "tpu.region"() ({
        %run_scoped3A = tpu.sem_alloc : memref<!tpu.dma_semaphore, #tpu.memory_space<semaphore_mem>>
        %dma_start3A_270 = tpu.memref_slice %arg6[%multiple_of3A_181] : memref<64004096xf32, #tpu.memory_space<hbm>> -> memref<16128xf32, #tpu.memory_space<hbm>>
        %dma_start3A_271 = tpu.memref_slice %arg6[%multiple_of3A_181] : memref<64004096xf32, #tpu.memory_space<hbm>> -> memref<16128xf32, #tpu.memory_space<hbm>>
        tpu.enqueue_dma source(%arg7 : memref<16128xf32, #tpu.memory_space<vmem>>) target(%dma_start3A_271 : memref<16128xf32, #tpu.memory_space<hbm>>) target_semaphore(%run_scoped3A : memref<!tpu.dma_semaphore, #tpu.memory_space<semaphore_mem>>)
        %dma_wait3A_272 = tpu.memref_slice %arg6[%multiple_of3A_181] : memref<64004096xf32, #tpu.memory_space<hbm>> -> memref<16128xf32, #tpu.memory_space<hbm>>
        %dma_wait3A_273 = tpu.memref_slice %arg6[%multiple_of3A_181] : memref<64004096xf32, #tpu.memory_space<hbm>> -> memref<16128xf32, #tpu.memory_space<hbm>>
        tpu.wait_dma2 semaphore(%run_scoped3A : memref<!tpu.dma_semaphore, #tpu.memory_space<semaphore_mem>>) src(%arg7 : memref<16128xf32, #tpu.memory_space<vmem>>) dst(%dma_wait3A_273 : memref<16128xf32, #tpu.memory_space<hbm>>)
        tpu.yield
      }) : () -> ()
      %add3A_182 = arith.constant 2 : i32
      %add3A_183 = arith.addi %add3A_171, %add3A_182 : i32
      %lt3A = arith.constant 62 : i32
      %lt3A_184 = arith.cmpi slt, %add3A_183, %lt3A : i32
      %convert_element_type3A = arith.extui %lt3A_184 : i1 to i32
      %cond3A = arith.constant 0 : i32
      %cond3A_185 = arith.cmpi ne, %convert_element_type3A, %cond3A : i32
      scf.if %cond3A_185 {
        %add3A_270 = arith.constant 2 : i32
        %add3A_271 = arith.addi %add3A_171, %add3A_270 : i32
        %mul3A_272 = arith.constant 16128 : i32
        %mul3A_273 = arith.muli %add3A_271, %mul3A_272 : i32
        %dma_start3A_274 = arith.constant 0 : i32
        %dma_start3A_275 = tpu.memref_slice %arg2[%add3A_4, %dma_start3A_274] : memref<64x1000000xf32, #tpu.memory_space<hbm>> -> memref<1x1000000xf32, #tpu.memory_space<hbm>>
        %dma_start3A_276 = tpu.memref_squeeze %dma_start3A_275 : memref<1x1000000xf32, #tpu.memory_space<hbm>> -> memref<1000000xf32, #tpu.memory_space<hbm>>
        %dma_start3A_277 = tpu.memref_slice %dma_start3A_276[%mul3A_273] : memref<1000000xf32, #tpu.memory_space<hbm>> -> memref<16128xf32, #tpu.memory_space<hbm>>
        %dma_start3A_278 = arith.constant 0 : i32
        %dma_start3A_279 = tpu.memref_slice %arg2[%add3A_4, %dma_start3A_278] : memref<64x1000000xf32, #tpu.memory_space<hbm>> -> memref<1x1000000xf32, #tpu.memory_space<hbm>>
        %dma_start3A_280 = tpu.memref_squeeze %dma_start3A_279 : memref<1x1000000xf32, #tpu.memory_space<hbm>> -> memref<1000000xf32, #tpu.memory_space<hbm>>
        %dma_start3A_281 = tpu.memref_slice %dma_start3A_280[%mul3A_273] : memref<1000000xf32, #tpu.memory_space<hbm>> -> memref<16128xf32, #tpu.memory_space<hbm>>
        tpu.enqueue_dma source(%dma_start3A_281 : memref<16128xf32, #tpu.memory_space<hbm>>) target(%arg7 : memref<16128xf32, #tpu.memory_space<vmem>>) target_semaphore(%arg17 : memref<!tpu.dma_semaphore, #tpu.memory_space<semaphore_mem>>)
      } else {
      }
      %lt3A_186 = arith.constant 50 : i32
      %lt3A_187 = arith.cmpi slt, %add3A_171, %lt3A_186 : i32
      %convert_element_type3A_188 = arith.extui %lt3A_187 : i1 to i32
      %cond3A_189 = arith.constant 0 : i32
      %cond3A_190 = arith.cmpi ne, %convert_element_type3A_188, %cond3A_189 : i32
      scf.if %cond3A_190 {
        %dma_wait3A_270 = arith.constant 0 : i32
        %dma_wait3A_271 = arith.constant 0 : i32
        %dma_wait3A_272 = tpu.memref_slice %arg4[%dma_wait3A_270, %dma_wait3A_271] : memref<50x4096xi32, #tpu.memory_space<hbm>> -> memref<1x4096xi32, #tpu.memory_space<hbm>>
        %dma_wait3A_273 = tpu.memref_squeeze %dma_wait3A_272 : memref<1x4096xi32, #tpu.memory_space<hbm>> -> memref<4096xi32, #tpu.memory_space<hbm>>
        %dma_wait3A_274 = arith.constant 0 : i32
        %dma_wait3A_275 = tpu.memref_slice %arg4[%dma_wait3A_270, %dma_wait3A_274] : memref<50x4096xi32, #tpu.memory_space<hbm>> -> memref<1x4096xi32, #tpu.memory_space<hbm>>
        %dma_wait3A_276 = tpu.memref_squeeze %dma_wait3A_275 : memref<1x4096xi32, #tpu.memory_space<hbm>> -> memref<4096xi32, #tpu.memory_space<hbm>>
        tpu.wait_dma2 semaphore(%arg23 : memref<!tpu.dma_semaphore, #tpu.memory_space<semaphore_mem>>) src(%dma_wait3A_276 : memref<4096xi32, #tpu.memory_space<hbm>>) dst(%arg9 : memref<4096xi32, #tpu.memory_space<vmem>>)
      } else {
      }
      %ge3A = arith.constant 2 : i32
      %ge3A_191 = arith.cmpi sge, %add3A_171, %ge3A : i32
      %lt3A_192 = arith.constant 50 : i32
      %lt3A_193 = arith.cmpi slt, %add3A_171, %lt3A_192 : i32
      %and3A = arith.andi %ge3A_191, %lt3A_193 : i1
      %convert_element_type3A_194 = arith.extui %and3A : i1 to i32
      %cond3A_195 = arith.constant 0 : i32
      %cond3A_196 = arith.cmpi ne, %convert_element_type3A_194, %cond3A_195 : i32
      scf.if %cond3A_196 {
        %dma_wait3A_270 = arith.constant 0 : i32
        %dma_wait3A_271 = tpu.memref_slice %arg6[%dma_wait3A_270] : memref<64004096xf32, #tpu.memory_space<hbm>> -> memref<4096xf32, #tpu.memory_space<hbm>>
        %dma_wait3A_272 = arith.constant 0 : i32
        %dma_wait3A_273 = tpu.memref_slice %arg6[%dma_wait3A_272] : memref<64004096xf32, #tpu.memory_space<hbm>> -> memref<4096xf32, #tpu.memory_space<hbm>>
        tpu.wait_dma2 semaphore(%arg27 : memref<!tpu.dma_semaphore, #tpu.memory_space<semaphore_mem>>) src(%dma_wait3A_273 : memref<4096xf32, #tpu.memory_space<hbm>>) dst(%arg13 : memref<4096xf32, #tpu.memory_space<vmem>>)
      } else {
      }
      %lt3A_197 = arith.constant 50 : i32
      %lt3A_198 = arith.cmpi slt, %add3A_171, %lt3A_197 : i32
      %convert_element_type3A_199 = arith.extui %lt3A_198 : i1 to i32
      %cond3A_200 = arith.constant 0 : i32
      %cond3A_201 = arith.cmpi ne, %convert_element_type3A_199, %cond3A_200 : i32
      scf.if %cond3A_201 {
        %mul3A_270 = arith.constant 1000064 : i32
        %mul3A_271 = arith.muli %mul3A_2, %mul3A_270 : i32
        %multiple_of3A_272 = tpu.assume_multiple %mul3A_271, 128 : i32
        %dma_start3A_273 = tpu.memref_slice %arg6[%multiple_of3A_272] : memref<64004096xf32, #tpu.memory_space<hbm>> -> memref<1000064xf32, #tpu.memory_space<hbm>>
        %dma_start3A_274 = arith.constant 0 : i32
        %dma_start3A_275 = tpu.memref_slice %dma_start3A_273[%dma_start3A_274] : memref<1000064xf32, #tpu.memory_space<hbm>> -> memref<1000064xf32, #tpu.memory_space<hbm>>
        tpu.enqueue_indirect_dma source(%dma_start3A_275 : memref<1000064xf32, #tpu.memory_space<hbm>>) target(%arg13 : memref<4096xf32, #tpu.memory_space<vmem>>) offsets(%arg9 : memref<4096xi32, #tpu.memory_space<vmem>>) semaphore(%arg19 : memref<!tpu.dma_semaphore, #tpu.memory_space<semaphore_mem>>)
      } else {
      }
      %ge3A_202 = arith.constant 1 : i32
      %ge3A_203 = arith.cmpi sge, %add3A_171, %ge3A_202 : i32
      %le3A = arith.constant 50 : i32
      %le3A_204 = arith.cmpi sle, %add3A_171, %le3A : i32
      %and3A_205 = arith.andi %ge3A_203, %le3A_204 : i1
      %convert_element_type3A_206 = arith.extui %and3A_205 : i1 to i32
      %cond3A_207 = arith.constant 0 : i32
      %cond3A_208 = arith.cmpi ne, %convert_element_type3A_206, %cond3A_207 : i32
      scf.if %cond3A_208 {
        %dma_wait3A_270 = arith.constant 0 : i32
        %dma_wait3A_271 = tpu.memref_slice %arg6[%dma_wait3A_270] : memref<64004096xf32, #tpu.memory_space<hbm>> -> memref<4096xf32, #tpu.memory_space<hbm>>
        %dma_wait3A_272 = arith.constant 0 : i32
        %dma_wait3A_273 = tpu.memref_slice %arg6[%dma_wait3A_272] : memref<64004096xf32, #tpu.memory_space<hbm>> -> memref<4096xf32, #tpu.memory_space<hbm>>
        tpu.wait_dma2 semaphore(%arg20 : memref<!tpu.dma_semaphore, #tpu.memory_space<semaphore_mem>>) src(%dma_wait3A_273 : memref<4096xf32, #tpu.memory_space<hbm>>) dst(%arg14 : memref<4096xf32, #tpu.memory_space<vmem>>)
        %sub3A = arith.constant 1 : i32
        %sub3A_274 = arith.subi %add3A_171, %sub3A : i32
        %dma_start3A_275 = arith.constant 0 : i32
        %dma_start3A_276 = arith.constant 0 : i32
        %dma_start3A_277 = tpu.memref_slice %arg5[%sub3A_274, %dma_start3A_275, %dma_start3A_276] : memref<50x64x4096xf32, #tpu.memory_space<hbm>> -> memref<1x64x4096xf32, #tpu.memory_space<hbm>>
        %dma_start3A_278 = tpu.memref_squeeze %dma_start3A_277 : memref<1x64x4096xf32, #tpu.memory_space<hbm>> -> memref<64x4096xf32, #tpu.memory_space<hbm>>
        %dma_start3A_279 = arith.constant 0 : i32
        %dma_start3A_280 = tpu.memref_slice %dma_start3A_278[%mul3A_2, %dma_start3A_279] : memref<64x4096xf32, #tpu.memory_space<hbm>> -> memref<1x4096xf32, #tpu.memory_space<hbm>>
        %dma_start3A_281 = tpu.memref_squeeze %dma_start3A_280 : memref<1x4096xf32, #tpu.memory_space<hbm>> -> memref<4096xf32, #tpu.memory_space<hbm>>
        %dma_start3A_282 = arith.constant 0 : i32
        %dma_start3A_283 = arith.constant 0 : i32
        %dma_start3A_284 = tpu.memref_slice %arg5[%sub3A_274, %dma_start3A_282, %dma_start3A_283] : memref<50x64x4096xf32, #tpu.memory_space<hbm>> -> memref<1x64x4096xf32, #tpu.memory_space<hbm>>
        %dma_start3A_285 = tpu.memref_squeeze %dma_start3A_284 : memref<1x64x4096xf32, #tpu.memory_space<hbm>> -> memref<64x4096xf32, #tpu.memory_space<hbm>>
        %dma_start3A_286 = arith.constant 0 : i32
        %dma_start3A_287 = tpu.memref_slice %dma_start3A_285[%mul3A_2, %dma_start3A_286] : memref<64x4096xf32, #tpu.memory_space<hbm>> -> memref<1x4096xf32, #tpu.memory_space<hbm>>
        %dma_start3A_288 = tpu.memref_squeeze %dma_start3A_287 : memref<1x4096xf32, #tpu.memory_space<hbm>> -> memref<4096xf32, #tpu.memory_space<hbm>>
        tpu.enqueue_dma source(%arg14 : memref<4096xf32, #tpu.memory_space<vmem>>) target(%dma_start3A_288 : memref<4096xf32, #tpu.memory_space<hbm>>) target_semaphore(%arg28 : memref<!tpu.dma_semaphore, #tpu.memory_space<semaphore_mem>>)
      } else {
      }
      %add3A_209 = arith.constant 1 : i32
      %add3A_210 = arith.addi %add3A_171, %add3A_209 : i32
      %lt3A_211 = arith.constant 50 : i32
      %lt3A_212 = arith.cmpi slt, %add3A_210, %lt3A_211 : i32
      %convert_element_type3A_213 = arith.extui %lt3A_212 : i1 to i32
      %cond3A_214 = arith.constant 0 : i32
      %cond3A_215 = arith.cmpi ne, %convert_element_type3A_213, %cond3A_214 : i32
      scf.if %cond3A_215 {
        %add3A_270 = arith.constant 1 : i32
        %add3A_271 = arith.addi %add3A_171, %add3A_270 : i32
        %dma_start3A_272 = arith.constant 0 : i32
        %dma_start3A_273 = tpu.memref_slice %arg4[%add3A_271, %dma_start3A_272] : memref<50x4096xi32, #tpu.memory_space<hbm>> -> memref<1x4096xi32, #tpu.memory_space<hbm>>
        %dma_start3A_274 = tpu.memref_squeeze %dma_start3A_273 : memref<1x4096xi32, #tpu.memory_space<hbm>> -> memref<4096xi32, #tpu.memory_space<hbm>>
        %dma_start3A_275 = arith.constant 0 : i32
        %dma_start3A_276 = tpu.memref_slice %arg4[%add3A_271, %dma_start3A_275] : memref<50x4096xi32, #tpu.memory_space<hbm>> -> memref<1x4096xi32, #tpu.memory_space<hbm>>
        %dma_start3A_277 = tpu.memref_squeeze %dma_start3A_276 : memref<1x4096xi32, #tpu.memory_space<hbm>> -> memref<4096xi32, #tpu.memory_space<hbm>>
        tpu.enqueue_dma source(%dma_start3A_277 : memref<4096xi32, #tpu.memory_space<hbm>>) target(%arg10 : memref<4096xi32, #tpu.memory_space<vmem>>) target_semaphore(%arg24 : memref<!tpu.dma_semaphore, #tpu.memory_space<semaphore_mem>>)
      } else {
      }
      %mul3A_216 = arith.constant 2 : i32
      %mul3A_217 = arith.muli %mul3A_216, %scan3A_167 : i32
      %add3A_218 = arith.constant 1 : i32
      %add3A_219 = arith.addi %mul3A_217, %add3A_218 : i32
      %dma_wait3A_220 = arith.constant 0 : i32
      %dma_wait3A_221 = tpu.memref_slice %arg6[%dma_wait3A_220] : memref<64004096xf32, #tpu.memory_space<hbm>> -> memref<16128xf32, #tpu.memory_space<hbm>>
      %dma_wait3A_222 = arith.constant 0 : i32
      %dma_wait3A_223 = tpu.memref_slice %arg6[%dma_wait3A_222] : memref<64004096xf32, #tpu.memory_space<hbm>> -> memref<16128xf32, #tpu.memory_space<hbm>>
      tpu.wait_dma2 semaphore(%arg18 : memref<!tpu.dma_semaphore, #tpu.memory_space<semaphore_mem>>) src(%dma_wait3A_223 : memref<16128xf32, #tpu.memory_space<hbm>>) dst(%arg8 : memref<16128xf32, #tpu.memory_space<vmem>>)
      %mul3A_224 = arith.constant 1000064 : i32
      %mul3A_225 = arith.muli %add3A_4, %mul3A_224 : i32
      %mul3A_226 = arith.constant 16128 : i32
      %mul3A_227 = arith.muli %add3A_219, %mul3A_226 : i32
      %add3A_228 = arith.addi %mul3A_225, %mul3A_227 : i32
      %multiple_of3A_229 = tpu.assume_multiple %add3A_228, 128 : i32
      "tpu.region"() ({
        %run_scoped3A = tpu.sem_alloc : memref<!tpu.dma_semaphore, #tpu.memory_space<semaphore_mem>>
        %dma_start3A_270 = tpu.memref_slice %arg6[%multiple_of3A_229] : memref<64004096xf32, #tpu.memory_space<hbm>> -> memref<16128xf32, #tpu.memory_space<hbm>>
        %dma_start3A_271 = tpu.memref_slice %arg6[%multiple_of3A_229] : memref<64004096xf32, #tpu.memory_space<hbm>> -> memref<16128xf32, #tpu.memory_space<hbm>>
        tpu.enqueue_dma source(%arg8 : memref<16128xf32, #tpu.memory_space<vmem>>) target(%dma_start3A_271 : memref<16128xf32, #tpu.memory_space<hbm>>) target_semaphore(%run_scoped3A : memref<!tpu.dma_semaphore, #tpu.memory_space<semaphore_mem>>)
        %dma_wait3A_272 = tpu.memref_slice %arg6[%multiple_of3A_229] : memref<64004096xf32, #tpu.memory_space<hbm>> -> memref<16128xf32, #tpu.memory_space<hbm>>
        %dma_wait3A_273 = tpu.memref_slice %arg6[%multiple_of3A_229] : memref<64004096xf32, #tpu.memory_space<hbm>> -> memref<16128xf32, #tpu.memory_space<hbm>>
        tpu.wait_dma2 semaphore(%run_scoped3A : memref<!tpu.dma_semaphore, #tpu.memory_space<semaphore_mem>>) src(%arg8 : memref<16128xf32, #tpu.memory_space<vmem>>) dst(%dma_wait3A_273 : memref<16128xf32, #tpu.memory_space<hbm>>)
        tpu.yield
      }) : () -> ()
      %add3A_230 = arith.constant 2 : i32
      %add3A_231 = arith.addi %add3A_219, %add3A_230 : i32
      %lt3A_232 = arith.constant 62 : i32
      %lt3A_233 = arith.cmpi slt, %add3A_231, %lt3A_232 : i32
      %convert_element_type3A_234 = arith.extui %lt3A_233 : i1 to i32
      %cond3A_235 = arith.constant 0 : i32
      %cond3A_236 = arith.cmpi ne, %convert_element_type3A_234, %cond3A_235 : i32
      scf.if %cond3A_236 {
        %add3A_270 = arith.constant 2 : i32
        %add3A_271 = arith.addi %add3A_219, %add3A_270 : i32
        %mul3A_272 = arith.constant 16128 : i32
        %mul3A_273 = arith.muli %add3A_271, %mul3A_272 : i32
        %dma_start3A_274 = arith.constant 0 : i32
        %dma_start3A_275 = tpu.memref_slice %arg2[%add3A_4, %dma_start3A_274] : memref<64x1000000xf32, #tpu.memory_space<hbm>> -> memref<1x1000000xf32, #tpu.memory_space<hbm>>
        %dma_start3A_276 = tpu.memref_squeeze %dma_start3A_275 : memref<1x1000000xf32, #tpu.memory_space<hbm>> -> memref<1000000xf32, #tpu.memory_space<hbm>>
        %dma_start3A_277 = tpu.memref_slice %dma_start3A_276[%mul3A_273] : memref<1000000xf32, #tpu.memory_space<hbm>> -> memref<16128xf32, #tpu.memory_space<hbm>>
        %dma_start3A_278 = arith.constant 0 : i32
        %dma_start3A_279 = tpu.memref_slice %arg2[%add3A_4, %dma_start3A_278] : memref<64x1000000xf32, #tpu.memory_space<hbm>> -> memref<1x1000000xf32, #tpu.memory_space<hbm>>
        %dma_start3A_280 = tpu.memref_squeeze %dma_start3A_279 : memref<1x1000000xf32, #tpu.memory_space<hbm>> -> memref<1000000xf32, #tpu.memory_space<hbm>>
        %dma_start3A_281 = tpu.memref_slice %dma_start3A_280[%mul3A_273] : memref<1000000xf32, #tpu.memory_space<hbm>> -> memref<16128xf32, #tpu.memory_space<hbm>>
        tpu.enqueue_dma source(%dma_start3A_281 : memref<16128xf32, #tpu.memory_space<hbm>>) target(%arg8 : memref<16128xf32, #tpu.memory_space<vmem>>) target_semaphore(%arg18 : memref<!tpu.dma_semaphore, #tpu.memory_space<semaphore_mem>>)
      } else {
      }
      %lt3A_237 = arith.constant 50 : i32
      %lt3A_238 = arith.cmpi slt, %add3A_219, %lt3A_237 : i32
      %convert_element_type3A_239 = arith.extui %lt3A_238 : i1 to i32
      %cond3A_240 = arith.constant 0 : i32
      %cond3A_241 = arith.cmpi ne, %convert_element_type3A_239, %cond3A_240 : i32
      scf.if %cond3A_241 {
        %dma_wait3A_270 = arith.constant 0 : i32
        %dma_wait3A_271 = arith.constant 0 : i32
        %dma_wait3A_272 = tpu.memref_slice %arg4[%dma_wait3A_270, %dma_wait3A_271] : memref<50x4096xi32, #tpu.memory_space<hbm>> -> memref<1x4096xi32, #tpu.memory_space<hbm>>
        %dma_wait3A_273 = tpu.memref_squeeze %dma_wait3A_272 : memref<1x4096xi32, #tpu.memory_space<hbm>> -> memref<4096xi32, #tpu.memory_space<hbm>>
        %dma_wait3A_274 = arith.constant 0 : i32
        %dma_wait3A_275 = tpu.memref_slice %arg4[%dma_wait3A_270, %dma_wait3A_274] : memref<50x4096xi32, #tpu.memory_space<hbm>> -> memref<1x4096xi32, #tpu.memory_space<hbm>>
        %dma_wait3A_276 = tpu.memref_squeeze %dma_wait3A_275 : memref<1x4096xi32, #tpu.memory_space<hbm>> -> memref<4096xi32, #tpu.memory_space<hbm>>
        tpu.wait_dma2 semaphore(%arg24 : memref<!tpu.dma_semaphore, #tpu.memory_space<semaphore_mem>>) src(%dma_wait3A_276 : memref<4096xi32, #tpu.memory_space<hbm>>) dst(%arg10 : memref<4096xi32, #tpu.memory_space<vmem>>)
      } else {
      }
      %ge3A_242 = arith.constant 2 : i32
      %ge3A_243 = arith.cmpi sge, %add3A_219, %ge3A_242 : i32
      %lt3A_244 = arith.constant 50 : i32
      %lt3A_245 = arith.cmpi slt, %add3A_219, %lt3A_244 : i32
      %and3A_246 = arith.andi %ge3A_243, %lt3A_245 : i1
      %convert_element_type3A_247 = arith.extui %and3A_246 : i1 to i32
      %cond3A_248 = arith.constant 0 : i32
      %cond3A_249 = arith.cmpi ne, %convert_element_type3A_247, %cond3A_248 : i32
      scf.if %cond3A_249 {
        %dma_wait3A_270 = arith.constant 0 : i32
        %dma_wait3A_271 = tpu.memref_slice %arg6[%dma_wait3A_270] : memref<64004096xf32, #tpu.memory_space<hbm>> -> memref<4096xf32, #tpu.memory_space<hbm>>
        %dma_wait3A_272 = arith.constant 0 : i32
        %dma_wait3A_273 = tpu.memref_slice %arg6[%dma_wait3A_272] : memref<64004096xf32, #tpu.memory_space<hbm>> -> memref<4096xf32, #tpu.memory_space<hbm>>
        tpu.wait_dma2 semaphore(%arg28 : memref<!tpu.dma_semaphore, #tpu.memory_space<semaphore_mem>>) src(%dma_wait3A_273 : memref<4096xf32, #tpu.memory_space<hbm>>) dst(%arg14 : memref<4096xf32, #tpu.memory_space<vmem>>)
      } else {
      }
      %lt3A_250 = arith.constant 50 : i32
      %lt3A_251 = arith.cmpi slt, %add3A_219, %lt3A_250 : i32
      %convert_element_type3A_252 = arith.extui %lt3A_251 : i1 to i32
      %cond3A_253 = arith.constant 0 : i32
      %cond3A_254 = arith.cmpi ne, %convert_element_type3A_252, %cond3A_253 : i32
      scf.if %cond3A_254 {
        %mul3A_270 = arith.constant 1000064 : i32
        %mul3A_271 = arith.muli %mul3A_2, %mul3A_270 : i32
        %multiple_of3A_272 = tpu.assume_multiple %mul3A_271, 128 : i32
        %dma_start3A_273 = tpu.memref_slice %arg6[%multiple_of3A_272] : memref<64004096xf32, #tpu.memory_space<hbm>> -> memref<1000064xf32, #tpu.memory_space<hbm>>
        %dma_start3A_274 = arith.constant 0 : i32
        %dma_start3A_275 = tpu.memref_slice %dma_start3A_273[%dma_start3A_274] : memref<1000064xf32, #tpu.memory_space<hbm>> -> memref<1000064xf32, #tpu.memory_space<hbm>>
        tpu.enqueue_indirect_dma source(%dma_start3A_275 : memref<1000064xf32, #tpu.memory_space<hbm>>) target(%arg14 : memref<4096xf32, #tpu.memory_space<vmem>>) offsets(%arg10 : memref<4096xi32, #tpu.memory_space<vmem>>) semaphore(%arg20 : memref<!tpu.dma_semaphore, #tpu.memory_space<semaphore_mem>>)
      } else {
      }
      %ge3A_255 = arith.constant 1 : i32
      %ge3A_256 = arith.cmpi sge, %add3A_219, %ge3A_255 : i32
      %le3A_257 = arith.constant 50 : i32
      %le3A_258 = arith.cmpi sle, %add3A_219, %le3A_257 : i32
      %and3A_259 = arith.andi %ge3A_256, %le3A_258 : i1
      %convert_element_type3A_260 = arith.extui %and3A_259 : i1 to i32
      %cond3A_261 = arith.constant 0 : i32
      %cond3A_262 = arith.cmpi ne, %convert_element_type3A_260, %cond3A_261 : i32
      scf.if %cond3A_262 {
        %dma_wait3A_270 = arith.constant 0 : i32
        %dma_wait3A_271 = tpu.memref_slice %arg6[%dma_wait3A_270] : memref<64004096xf32, #tpu.memory_space<hbm>> -> memref<4096xf32, #tpu.memory_space<hbm>>
        %dma_wait3A_272 = arith.constant 0 : i32
        %dma_wait3A_273 = tpu.memref_slice %arg6[%dma_wait3A_272] : memref<64004096xf32, #tpu.memory_space<hbm>> -> memref<4096xf32, #tpu.memory_space<hbm>>
        tpu.wait_dma2 semaphore(%arg19 : memref<!tpu.dma_semaphore, #tpu.memory_space<semaphore_mem>>) src(%dma_wait3A_273 : memref<4096xf32, #tpu.memory_space<hbm>>) dst(%arg13 : memref<4096xf32, #tpu.memory_space<vmem>>)
        %sub3A = arith.constant 1 : i32
        %sub3A_274 = arith.subi %add3A_219, %sub3A : i32
        %dma_start3A_275 = arith.constant 0 : i32
        %dma_start3A_276 = arith.constant 0 : i32
        %dma_start3A_277 = tpu.memref_slice %arg5[%sub3A_274, %dma_start3A_275, %dma_start3A_276] : memref<50x64x4096xf32, #tpu.memory_space<hbm>> -> memref<1x64x4096xf32, #tpu.memory_space<hbm>>
        %dma_start3A_278 = tpu.memref_squeeze %dma_start3A_277 : memref<1x64x4096xf32, #tpu.memory_space<hbm>> -> memref<64x4096xf32, #tpu.memory_space<hbm>>
        %dma_start3A_279 = arith.constant 0 : i32
        %dma_start3A_280 = tpu.memref_slice %dma_start3A_278[%mul3A_2, %dma_start3A_279] : memref<64x4096xf32, #tpu.memory_space<hbm>> -> memref<1x4096xf32, #tpu.memory_space<hbm>>
        %dma_start3A_281 = tpu.memref_squeeze %dma_start3A_280 : memref<1x4096xf32, #tpu.memory_space<hbm>> -> memref<4096xf32, #tpu.memory_space<hbm>>
        %dma_start3A_282 = arith.constant 0 : i32
        %dma_start3A_283 = arith.constant 0 : i32
        %dma_start3A_284 = tpu.memref_slice %arg5[%sub3A_274, %dma_start3A_282, %dma_start3A_283] : memref<50x64x4096xf32, #tpu.memory_space<hbm>> -> memref<1x64x4096xf32, #tpu.memory_space<hbm>>
        %dma_start3A_285 = tpu.memref_squeeze %dma_start3A_284 : memref<1x64x4096xf32, #tpu.memory_space<hbm>> -> memref<64x4096xf32, #tpu.memory_space<hbm>>
        %dma_start3A_286 = arith.constant 0 : i32
        %dma_start3A_287 = tpu.memref_slice %dma_start3A_285[%mul3A_2, %dma_start3A_286] : memref<64x4096xf32, #tpu.memory_space<hbm>> -> memref<1x4096xf32, #tpu.memory_space<hbm>>
        %dma_start3A_288 = tpu.memref_squeeze %dma_start3A_287 : memref<1x4096xf32, #tpu.memory_space<hbm>> -> memref<4096xf32, #tpu.memory_space<hbm>>
        tpu.enqueue_dma source(%arg13 : memref<4096xf32, #tpu.memory_space<vmem>>) target(%dma_start3A_288 : memref<4096xf32, #tpu.memory_space<hbm>>) target_semaphore(%arg27 : memref<!tpu.dma_semaphore, #tpu.memory_space<semaphore_mem>>)
      } else {
      }
      %add3A_263 = arith.constant 1 : i32
      %add3A_264 = arith.addi %add3A_219, %add3A_263 : i32
      %lt3A_265 = arith.constant 50 : i32
      %lt3A_266 = arith.cmpi slt, %add3A_264, %lt3A_265 : i32
      %convert_element_type3A_267 = arith.extui %lt3A_266 : i1 to i32
      %cond3A_268 = arith.constant 0 : i32
      %cond3A_269 = arith.cmpi ne, %convert_element_type3A_267, %cond3A_268 : i32
      scf.if %cond3A_269 {
        %add3A_270 = arith.constant 1 : i32
        %add3A_271 = arith.addi %add3A_219, %add3A_270 : i32
        %dma_start3A_272 = arith.constant 0 : i32
        %dma_start3A_273 = tpu.memref_slice %arg4[%add3A_271, %dma_start3A_272] : memref<50x4096xi32, #tpu.memory_space<hbm>> -> memref<1x4096xi32, #tpu.memory_space<hbm>>
        %dma_start3A_274 = tpu.memref_squeeze %dma_start3A_273 : memref<1x4096xi32, #tpu.memory_space<hbm>> -> memref<4096xi32, #tpu.memory_space<hbm>>
        %dma_start3A_275 = arith.constant 0 : i32
        %dma_start3A_276 = tpu.memref_slice %arg4[%add3A_271, %dma_start3A_275] : memref<50x4096xi32, #tpu.memory_space<hbm>> -> memref<1x4096xi32, #tpu.memory_space<hbm>>
        %dma_start3A_277 = tpu.memref_squeeze %dma_start3A_276 : memref<1x4096xi32, #tpu.memory_space<hbm>> -> memref<4096xi32, #tpu.memory_space<hbm>>
        tpu.enqueue_dma source(%dma_start3A_277 : memref<4096xi32, #tpu.memory_space<hbm>>) target(%arg9 : memref<4096xi32, #tpu.memory_space<vmem>>) target_semaphore(%arg23 : memref<!tpu.dma_semaphore, #tpu.memory_space<semaphore_mem>>)
      } else {
      }
    }
    %scan3A_65 = arith.constant 31 : i32
    "tpu.region"() ({
      %run_scoped3A = tpu.sem_alloc : memref<!tpu.dma_semaphore, #tpu.memory_space<semaphore_mem>>
      %dma_start3A_167 = arith.constant 0 : i32
      %dma_start3A_168 = tpu.memref_slice %arg7[%dma_start3A_167] : memref<16128xf32, #tpu.memory_space<vmem>> -> memref<128xf32, #tpu.memory_space<vmem>>
      %dma_start3A_169 = arith.constant 0 : i32
      %dma_start3A_170 = tpu.memref_slice %arg3[%add3A_4, %dma_start3A_169] : memref<64x128xf32, #tpu.memory_space<hbm>> -> memref<1x128xf32, #tpu.memory_space<hbm>>
      %dma_start3A_171 = tpu.memref_squeeze %dma_start3A_170 : memref<1x128xf32, #tpu.memory_space<hbm>> -> memref<128xf32, #tpu.memory_space<hbm>>
      %dma_start3A_172 = arith.constant 0 : i32
      %dma_start3A_173 = tpu.memref_slice %arg7[%dma_start3A_172] : memref<16128xf32, #tpu.memory_space<vmem>> -> memref<128xf32, #tpu.memory_space<vmem>>
      %dma_start3A_174 = arith.constant 0 : i32
      %dma_start3A_175 = tpu.memref_slice %arg3[%add3A_4, %dma_start3A_174] : memref<64x128xf32, #tpu.memory_space<hbm>> -> memref<1x128xf32, #tpu.memory_space<hbm>>
      %dma_start3A_176 = tpu.memref_squeeze %dma_start3A_175 : memref<1x128xf32, #tpu.memory_space<hbm>> -> memref<128xf32, #tpu.memory_space<hbm>>
      tpu.enqueue_dma source(%dma_start3A_176 : memref<128xf32, #tpu.memory_space<hbm>>) target(%dma_start3A_173 : memref<128xf32, #tpu.memory_space<vmem>>) target_semaphore(%run_scoped3A : memref<!tpu.dma_semaphore, #tpu.memory_space<semaphore_mem>>)
      %dma_wait3A_177 = arith.constant 0 : i32
      %dma_wait3A_178 = tpu.memref_slice %arg7[%dma_wait3A_177] : memref<16128xf32, #tpu.memory_space<vmem>> -> memref<128xf32, #tpu.memory_space<vmem>>
      %dma_wait3A_179 = arith.constant 0 : i32
      %dma_wait3A_180 = tpu.memref_slice %arg3[%add3A_4, %dma_wait3A_179] : memref<64x128xf32, #tpu.memory_space<hbm>> -> memref<1x128xf32, #tpu.memory_space<hbm>>
      %dma_wait3A_181 = tpu.memref_squeeze %dma_wait3A_180 : memref<1x128xf32, #tpu.memory_space<hbm>> -> memref<128xf32, #tpu.memory_space<hbm>>
      %dma_wait3A_182 = arith.constant 0 : i32
      %dma_wait3A_183 = tpu.memref_slice %arg7[%dma_wait3A_182] : memref<16128xf32, #tpu.memory_space<vmem>> -> memref<128xf32, #tpu.memory_space<vmem>>
      %dma_wait3A_184 = arith.constant 0 : i32
      %dma_wait3A_185 = tpu.memref_slice %arg3[%add3A_4, %dma_wait3A_184] : memref<64x128xf32, #tpu.memory_space<hbm>> -> memref<1x128xf32, #tpu.memory_space<hbm>>
      %dma_wait3A_186 = tpu.memref_squeeze %dma_wait3A_185 : memref<1x128xf32, #tpu.memory_space<hbm>> -> memref<128xf32, #tpu.memory_space<hbm>>
      tpu.wait_dma2 semaphore(%run_scoped3A : memref<!tpu.dma_semaphore, #tpu.memory_space<semaphore_mem>>) src(%dma_wait3A_186 : memref<128xf32, #tpu.memory_space<hbm>>) dst(%dma_wait3A_183 : memref<128xf32, #tpu.memory_space<vmem>>)
      tpu.yield
    }) : () -> ()
    %mul3A_66 = arith.constant 1000064 : i32
    %mul3A_67 = arith.muli %add3A_4, %mul3A_66 : i32
    %add3A_68 = arith.constant 999936 : i32
    %add3A_69 = arith.addi %mul3A_67, %add3A_68 : i32
    %multiple_of3A_70 = tpu.assume_multiple %add3A_69, 128 : i32
    "tpu.region"() ({
      %run_scoped3A = tpu.sem_alloc : memref<!tpu.dma_semaphore, #tpu.memory_space<semaphore_mem>>
      %dma_start3A_167 = arith.constant 0 : i32
      %dma_start3A_168 = tpu.memref_slice %arg7[%dma_start3A_167] : memref<16128xf32, #tpu.memory_space<vmem>> -> memref<128xf32, #tpu.memory_space<vmem>>
      %dma_start3A_169 = tpu.memref_slice %arg6[%multiple_of3A_70] : memref<64004096xf32, #tpu.memory_space<hbm>> -> memref<128xf32, #tpu.memory_space<hbm>>
      %dma_start3A_170 = tpu.memref_slice %arg6[%multiple_of3A_70] : memref<64004096xf32, #tpu.memory_space<hbm>> -> memref<128xf32, #tpu.memory_space<hbm>>
      %dma_start3A_171 = arith.constant 0 : i32
      %dma_start3A_172 = tpu.memref_slice %arg7[%dma_start3A_171] : memref<16128xf32, #tpu.memory_space<vmem>> -> memref<128xf32, #tpu.memory_space<vmem>>
      tpu.enqueue_dma source(%dma_start3A_172 : memref<128xf32, #tpu.memory_space<vmem>>) target(%dma_start3A_170 : memref<128xf32, #tpu.memory_space<hbm>>) target_semaphore(%run_scoped3A : memref<!tpu.dma_semaphore, #tpu.memory_space<semaphore_mem>>)
      %dma_wait3A_173 = arith.constant 0 : i32
      %dma_wait3A_174 = tpu.memref_slice %arg7[%dma_wait3A_173] : memref<16128xf32, #tpu.memory_space<vmem>> -> memref<128xf32, #tpu.memory_space<vmem>>
      %dma_wait3A_175 = tpu.memref_slice %arg6[%multiple_of3A_70] : memref<64004096xf32, #tpu.memory_space<hbm>> -> memref<128xf32, #tpu.memory_space<hbm>>
      %dma_wait3A_176 = tpu.memref_slice %arg6[%multiple_of3A_70] : memref<64004096xf32, #tpu.memory_space<hbm>> -> memref<128xf32, #tpu.memory_space<hbm>>
      %dma_wait3A_177 = arith.constant 0 : i32
      %dma_wait3A_178 = tpu.memref_slice %arg7[%dma_wait3A_177] : memref<16128xf32, #tpu.memory_space<vmem>> -> memref<128xf32, #tpu.memory_space<vmem>>
      tpu.wait_dma2 semaphore(%run_scoped3A : memref<!tpu.dma_semaphore, #tpu.memory_space<semaphore_mem>>) src(%dma_wait3A_178 : memref<128xf32, #tpu.memory_space<vmem>>) dst(%dma_wait3A_176 : memref<128xf32, #tpu.memory_space<hbm>>)
      tpu.yield
    }) : () -> ()
    %dma_start3A_71 = arith.constant 0 : i32
    %dma_start3A_72 = arith.constant 0 : i32
    %dma_start3A_73 = tpu.memref_slice %arg4[%dma_start3A_71, %dma_start3A_72] : memref<50x4096xi32, #tpu.memory_space<hbm>> -> memref<1x4096xi32, #tpu.memory_space<hbm>>
    %dma_start3A_74 = tpu.memref_squeeze %dma_start3A_73 : memref<1x4096xi32, #tpu.memory_space<hbm>> -> memref<4096xi32, #tpu.memory_space<hbm>>
    %dma_start3A_75 = arith.constant 0 : i32
    %dma_start3A_76 = tpu.memref_slice %arg4[%dma_start3A_71, %dma_start3A_75] : memref<50x4096xi32, #tpu.memory_space<hbm>> -> memref<1x4096xi32, #tpu.memory_space<hbm>>
    %dma_start3A_77 = tpu.memref_squeeze %dma_start3A_76 : memref<1x4096xi32, #tpu.memory_space<hbm>> -> memref<4096xi32, #tpu.memory_space<hbm>>
    tpu.enqueue_dma source(%dma_start3A_77 : memref<4096xi32, #tpu.memory_space<hbm>>) target(%arg9 : memref<4096xi32, #tpu.memory_space<vmem>>) target_semaphore(%arg23 : memref<!tpu.dma_semaphore, #tpu.memory_space<semaphore_mem>>)
    %dma_start3A_78 = arith.constant 1 : i32
    %dma_start3A_79 = arith.constant 0 : i32
    %dma_start3A_80 = tpu.memref_slice %arg4[%dma_start3A_78, %dma_start3A_79] : memref<50x4096xi32, #tpu.memory_space<hbm>> -> memref<1x4096xi32, #tpu.memory_space<hbm>>
    %dma_start3A_81 = tpu.memref_squeeze %dma_start3A_80 : memref<1x4096xi32, #tpu.memory_space<hbm>> -> memref<4096xi32, #tpu.memory_space<hbm>>
    %dma_start3A_82 = arith.constant 0 : i32
    %dma_start3A_83 = tpu.memref_slice %arg4[%dma_start3A_78, %dma_start3A_82] : memref<50x4096xi32, #tpu.memory_space<hbm>> -> memref<1x4096xi32, #tpu.memory_space<hbm>>
    %dma_start3A_84 = tpu.memref_squeeze %dma_start3A_83 : memref<1x4096xi32, #tpu.memory_space<hbm>> -> memref<4096xi32, #tpu.memory_space<hbm>>
    tpu.enqueue_dma source(%dma_start3A_84 : memref<4096xi32, #tpu.memory_space<hbm>>) target(%arg10 : memref<4096xi32, #tpu.memory_space<vmem>>) target_semaphore(%arg24 : memref<!tpu.dma_semaphore, #tpu.memory_space<semaphore_mem>>)
    %dma_start3A_85 = arith.constant 2 : i32
    %dma_start3A_86 = arith.constant 0 : i32
    %dma_start3A_87 = tpu.memref_slice %arg4[%dma_start3A_85, %dma_start3A_86] : memref<50x4096xi32, #tpu.memory_space<hbm>> -> memref<1x4096xi32, #tpu.memory_space<hbm>>
    %dma_start3A_88 = tpu.memref_squeeze %dma_start3A_87 : memref<1x4096xi32, #tpu.memory_space<hbm>> -> memref<4096xi32, #tpu.memory_space<hbm>>
    %dma_start3A_89 = arith.constant 0 : i32
    %dma_start3A_90 = tpu.memref_slice %arg4[%dma_start3A_85, %dma_start3A_89] : memref<50x4096xi32, #tpu.memory_space<hbm>> -> memref<1x4096xi32, #tpu.memory_space<hbm>>
    %dma_start3A_91 = tpu.memref_squeeze %dma_start3A_90 : memref<1x4096xi32, #tpu.memory_space<hbm>> -> memref<4096xi32, #tpu.memory_space<hbm>>
    tpu.enqueue_dma source(%dma_start3A_91 : memref<4096xi32, #tpu.memory_space<hbm>>) target(%arg11 : memref<4096xi32, #tpu.memory_space<vmem>>) target_semaphore(%arg25 : memref<!tpu.dma_semaphore, #tpu.memory_space<semaphore_mem>>)
    %dma_start3A_92 = arith.constant 3 : i32
    %dma_start3A_93 = arith.constant 0 : i32
    %dma_start3A_94 = tpu.memref_slice %arg4[%dma_start3A_92, %dma_start3A_93] : memref<50x4096xi32, #tpu.memory_space<hbm>> -> memref<1x4096xi32, #tpu.memory_space<hbm>>
    %dma_start3A_95 = tpu.memref_squeeze %dma_start3A_94 : memref<1x4096xi32, #tpu.memory_space<hbm>> -> memref<4096xi32, #tpu.memory_space<hbm>>
    %dma_start3A_96 = arith.constant 0 : i32
    %dma_start3A_97 = tpu.memref_slice %arg4[%dma_start3A_92, %dma_start3A_96] : memref<50x4096xi32, #tpu.memory_space<hbm>> -> memref<1x4096xi32, #tpu.memory_space<hbm>>
    %dma_start3A_98 = tpu.memref_squeeze %dma_start3A_97 : memref<1x4096xi32, #tpu.memory_space<hbm>> -> memref<4096xi32, #tpu.memory_space<hbm>>
    tpu.enqueue_dma source(%dma_start3A_98 : memref<4096xi32, #tpu.memory_space<hbm>>) target(%arg12 : memref<4096xi32, #tpu.memory_space<vmem>>) target_semaphore(%arg26 : memref<!tpu.dma_semaphore, #tpu.memory_space<semaphore_mem>>)
    %dma_wait3A = arith.constant 0 : i32
    %dma_wait3A_99 = tpu.memref_slice %arg6[%dma_wait3A] : memref<64004096xf32, #tpu.memory_space<hbm>> -> memref<4096xf32, #tpu.memory_space<hbm>>
    %dma_wait3A_100 = arith.constant 0 : i32
    %dma_wait3A_101 = tpu.memref_slice %arg6[%dma_wait3A_100] : memref<64004096xf32, #tpu.memory_space<hbm>> -> memref<4096xf32, #tpu.memory_space<hbm>>
    tpu.wait_dma2 semaphore(%arg27 : memref<!tpu.dma_semaphore, #tpu.memory_space<semaphore_mem>>) src(%dma_wait3A_101 : memref<4096xf32, #tpu.memory_space<hbm>>) dst(%arg13 : memref<4096xf32, #tpu.memory_space<vmem>>)
    %dma_wait3A_102 = arith.constant 0 : i32
    %dma_wait3A_103 = arith.constant 0 : i32
    %dma_wait3A_104 = tpu.memref_slice %arg4[%dma_wait3A_102, %dma_wait3A_103] : memref<50x4096xi32, #tpu.memory_space<hbm>> -> memref<1x4096xi32, #tpu.memory_space<hbm>>
    %dma_wait3A_105 = tpu.memref_squeeze %dma_wait3A_104 : memref<1x4096xi32, #tpu.memory_space<hbm>> -> memref<4096xi32, #tpu.memory_space<hbm>>
    %dma_wait3A_106 = arith.constant 0 : i32
    %dma_wait3A_107 = tpu.memref_slice %arg4[%dma_wait3A_102, %dma_wait3A_106] : memref<50x4096xi32, #tpu.memory_space<hbm>> -> memref<1x4096xi32, #tpu.memory_space<hbm>>
    %dma_wait3A_108 = tpu.memref_squeeze %dma_wait3A_107 : memref<1x4096xi32, #tpu.memory_space<hbm>> -> memref<4096xi32, #tpu.memory_space<hbm>>
    tpu.wait_dma2 semaphore(%arg23 : memref<!tpu.dma_semaphore, #tpu.memory_space<semaphore_mem>>) src(%dma_wait3A_108 : memref<4096xi32, #tpu.memory_space<hbm>>) dst(%arg9 : memref<4096xi32, #tpu.memory_space<vmem>>)
    %mul3A_109 = arith.constant 1000064 : i32
    %mul3A_110 = arith.muli %add3A_4, %mul3A_109 : i32
    %multiple_of3A_111 = tpu.assume_multiple %mul3A_110, 128 : i32
    %dma_start3A_112 = tpu.memref_slice %arg6[%multiple_of3A_111] : memref<64004096xf32, #tpu.memory_space<hbm>> -> memref<1000064xf32, #tpu.memory_space<hbm>>
    %dma_start3A_113 = arith.constant 0 : i32
    %dma_start3A_114 = tpu.memref_slice %dma_start3A_112[%dma_start3A_113] : memref<1000064xf32, #tpu.memory_space<hbm>> -> memref<1000064xf32, #tpu.memory_space<hbm>>
    tpu.enqueue_indirect_dma source(%dma_start3A_114 : memref<1000064xf32, #tpu.memory_space<hbm>>) target(%arg13 : memref<4096xf32, #tpu.memory_space<vmem>>) offsets(%arg9 : memref<4096xi32, #tpu.memory_space<vmem>>) semaphore(%arg19 : memref<!tpu.dma_semaphore, #tpu.memory_space<semaphore_mem>>)
    %dma_wait3A_115 = arith.constant 0 : i32
    %dma_wait3A_116 = tpu.memref_slice %arg6[%dma_wait3A_115] : memref<64004096xf32, #tpu.memory_space<hbm>> -> memref<4096xf32, #tpu.memory_space<hbm>>
    %dma_wait3A_117 = arith.constant 0 : i32
    %dma_wait3A_118 = tpu.memref_slice %arg6[%dma_wait3A_117] : memref<64004096xf32, #tpu.memory_space<hbm>> -> memref<4096xf32, #tpu.memory_space<hbm>>
    tpu.wait_dma2 semaphore(%arg28 : memref<!tpu.dma_semaphore, #tpu.memory_space<semaphore_mem>>) src(%dma_wait3A_118 : memref<4096xf32, #tpu.memory_space<hbm>>) dst(%arg14 : memref<4096xf32, #tpu.memory_space<vmem>>)
    %dma_wait3A_119 = arith.constant 0 : i32
    %dma_wait3A_120 = arith.constant 0 : i32
    %dma_wait3A_121 = tpu.memref_slice %arg4[%dma_wait3A_119, %dma_wait3A_120] : memref<50x4096xi32, #tpu.memory_space<hbm>> -> memref<1x4096xi32, #tpu.memory_space<hbm>>
    %dma_wait3A_122 = tpu.memref_squeeze %dma_wait3A_121 : memref<1x4096xi32, #tpu.memory_space<hbm>> -> memref<4096xi32, #tpu.memory_space<hbm>>
    %dma_wait3A_123 = arith.constant 0 : i32
    %dma_wait3A_124 = tpu.memref_slice %arg4[%dma_wait3A_119, %dma_wait3A_123] : memref<50x4096xi32, #tpu.memory_space<hbm>> -> memref<1x4096xi32, #tpu.memory_space<hbm>>
    %dma_wait3A_125 = tpu.memref_squeeze %dma_wait3A_124 : memref<1x4096xi32, #tpu.memory_space<hbm>> -> memref<4096xi32, #tpu.memory_space<hbm>>
    tpu.wait_dma2 semaphore(%arg24 : memref<!tpu.dma_semaphore, #tpu.memory_space<semaphore_mem>>) src(%dma_wait3A_125 : memref<4096xi32, #tpu.memory_space<hbm>>) dst(%arg10 : memref<4096xi32, #tpu.memory_space<vmem>>)
    %mul3A_126 = arith.constant 1000064 : i32
    %mul3A_127 = arith.muli %add3A_4, %mul3A_126 : i32
    %multiple_of3A_128 = tpu.assume_multiple %mul3A_127, 128 : i32
    %dma_start3A_129 = tpu.memref_slice %arg6[%multiple_of3A_128] : memref<64004096xf32, #tpu.memory_space<hbm>> -> memref<1000064xf32, #tpu.memory_space<hbm>>
    %dma_start3A_130 = arith.constant 0 : i32
    %dma_start3A_131 = tpu.memref_slice %dma_start3A_129[%dma_start3A_130] : memref<1000064xf32, #tpu.memory_space<hbm>> -> memref<1000064xf32, #tpu.memory_space<hbm>>
    tpu.enqueue_indirect_dma source(%dma_start3A_131 : memref<1000064xf32, #tpu.memory_space<hbm>>) target(%arg14 : memref<4096xf32, #tpu.memory_space<vmem>>) offsets(%arg10 : memref<4096xi32, #tpu.memory_space<vmem>>) semaphore(%arg20 : memref<!tpu.dma_semaphore, #tpu.memory_space<semaphore_mem>>)
    %dma_wait3A_132 = arith.constant 0 : i32
    %dma_wait3A_133 = arith.constant 0 : i32
    %dma_wait3A_134 = tpu.memref_slice %arg4[%dma_wait3A_132, %dma_wait3A_133] : memref<50x4096xi32, #tpu.memory_space<hbm>> -> memref<1x4096xi32, #tpu.memory_space<hbm>>
    %dma_wait3A_135 = tpu.memref_squeeze %dma_wait3A_134 : memref<1x4096xi32, #tpu.memory_space<hbm>> -> memref<4096xi32, #tpu.memory_space<hbm>>
    %dma_wait3A_136 = arith.constant 0 : i32
    %dma_wait3A_137 = tpu.memref_slice %arg4[%dma_wait3A_132, %dma_wait3A_136] : memref<50x4096xi32, #tpu.memory_space<hbm>> -> memref<1x4096xi32, #tpu.memory_space<hbm>>
    %dma_wait3A_138 = tpu.memref_squeeze %dma_wait3A_137 : memref<1x4096xi32, #tpu.memory_space<hbm>> -> memref<4096xi32, #tpu.memory_space<hbm>>
    tpu.wait_dma2 semaphore(%arg25 : memref<!tpu.dma_semaphore, #tpu.memory_space<semaphore_mem>>) src(%dma_wait3A_138 : memref<4096xi32, #tpu.memory_space<hbm>>) dst(%arg11 : memref<4096xi32, #tpu.memory_space<vmem>>)
    %mul3A_139 = arith.constant 1000064 : i32
    %mul3A_140 = arith.muli %add3A_4, %mul3A_139 : i32
    %multiple_of3A_141 = tpu.assume_multiple %mul3A_140, 128 : i32
    %dma_start3A_142 = tpu.memref_slice %arg6[%multiple_of3A_141] : memref<64004096xf32, #tpu.memory_space<hbm>> -> memref<1000064xf32, #tpu.memory_space<hbm>>
    %dma_start3A_143 = arith.constant 0 : i32
    %dma_start3A_144 = tpu.memref_slice %dma_start3A_142[%dma_start3A_143] : memref<1000064xf32, #tpu.memory_space<hbm>> -> memref<1000064xf32, #tpu.memory_space<hbm>>
    tpu.enqueue_indirect_dma source(%dma_start3A_144 : memref<1000064xf32, #tpu.memory_space<hbm>>) target(%arg15 : memref<4096xf32, #tpu.memory_space<vmem>>) offsets(%arg11 : memref<4096xi32, #tpu.memory_space<vmem>>) semaphore(%arg21 : memref<!tpu.dma_semaphore, #tpu.memory_space<semaphore_mem>>)
    %scan3A_145 = arith.constant 0 : i32
    %scan3A_146 = arith.constant 0 : i32
    %scan3A_147 = arith.constant 13 : i32
    %scan3A_148 = arith.addi %scan3A_146, %scan3A_147 : i32
    %scan3A_149 = arith.constant 1 : i32
    scf.for %scan3A_167 = %scan3A_146 to %scan3A_148 step %scan3A_149  : i32 {
      %mul3A_168 = arith.constant 4 : i32
      %mul3A_169 = arith.muli %mul3A_168, %scan3A_167 : i32
      %add3A_170 = arith.constant 0 : i32
      %add3A_171 = arith.addi %mul3A_169, %add3A_170 : i32
      %add3A_172 = arith.constant 4 : i32
      %add3A_173 = arith.addi %add3A_171, %add3A_172 : i32
      %sub3A = arith.constant 1 : i32
      %sub3A_174 = arith.subi %add3A_173, %sub3A : i32
      %lt3A = arith.constant 50 : i32
      %lt3A_175 = arith.cmpi slt, %sub3A_174, %lt3A : i32
      %ge3A = arith.constant 1 : i32
      %ge3A_176 = arith.cmpi sge, %add3A_171, %ge3A : i32
      %and3A = arith.andi %lt3A_175, %ge3A_176 : i1
      %convert_element_type3A = arith.extui %and3A : i1 to i32
      %cond3A = arith.constant 0 : i32
      %cond3A_177 = arith.cmpi ne, %convert_element_type3A, %cond3A : i32
      scf.if %cond3A_177 {
        %dma_wait3A_322 = arith.constant 0 : i32
        %dma_wait3A_323 = tpu.memref_slice %arg6[%dma_wait3A_322] : memref<64004096xf32, #tpu.memory_space<hbm>> -> memref<4096xf32, #tpu.memory_space<hbm>>
        %dma_wait3A_324 = arith.constant 0 : i32
        %dma_wait3A_325 = tpu.memref_slice %arg6[%dma_wait3A_324] : memref<64004096xf32, #tpu.memory_space<hbm>> -> memref<4096xf32, #tpu.memory_space<hbm>>
        tpu.wait_dma2 semaphore(%arg30 : memref<!tpu.dma_semaphore, #tpu.memory_space<semaphore_mem>>) src(%dma_wait3A_325 : memref<4096xf32, #tpu.memory_space<hbm>>) dst(%arg16 : memref<4096xf32, #tpu.memory_space<vmem>>)
        %dma_wait3A_326 = arith.constant 0 : i32
        %dma_wait3A_327 = arith.constant 0 : i32
        %dma_wait3A_328 = tpu.memref_slice %arg4[%dma_wait3A_326, %dma_wait3A_327] : memref<50x4096xi32, #tpu.memory_space<hbm>> -> memref<1x4096xi32, #tpu.memory_space<hbm>>
        %dma_wait3A_329 = tpu.memref_squeeze %dma_wait3A_328 : memref<1x4096xi32, #tpu.memory_space<hbm>> -> memref<4096xi32, #tpu.memory_space<hbm>>
        %dma_wait3A_330 = arith.constant 0 : i32
        %dma_wait3A_331 = tpu.memref_slice %arg4[%dma_wait3A_326, %dma_wait3A_330] : memref<50x4096xi32, #tpu.memory_space<hbm>> -> memref<1x4096xi32, #tpu.memory_space<hbm>>
        %dma_wait3A_332 = tpu.memref_squeeze %dma_wait3A_331 : memref<1x4096xi32, #tpu.memory_space<hbm>> -> memref<4096xi32, #tpu.memory_space<hbm>>
        tpu.wait_dma2 semaphore(%arg26 : memref<!tpu.dma_semaphore, #tpu.memory_space<semaphore_mem>>) src(%dma_wait3A_332 : memref<4096xi32, #tpu.memory_space<hbm>>) dst(%arg12 : memref<4096xi32, #tpu.memory_space<vmem>>)
        %mul3A_333 = arith.constant 1000064 : i32
        %mul3A_334 = arith.muli %add3A_4, %mul3A_333 : i32
        %multiple_of3A_335 = tpu.assume_multiple %mul3A_334, 128 : i32
        %dma_start3A_336 = tpu.memref_slice %arg6[%multiple_of3A_335] : memref<64004096xf32, #tpu.memory_space<hbm>> -> memref<1000064xf32, #tpu.memory_space<hbm>>
        %dma_start3A_337 = arith.constant 0 : i32
        %dma_start3A_338 = tpu.memref_slice %dma_start3A_336[%dma_start3A_337] : memref<1000064xf32, #tpu.memory_space<hbm>> -> memref<1000064xf32, #tpu.memory_space<hbm>>
        tpu.enqueue_indirect_dma source(%dma_start3A_338 : memref<1000064xf32, #tpu.memory_space<hbm>>) target(%arg16 : memref<4096xf32, #tpu.memory_space<vmem>>) offsets(%arg12 : memref<4096xi32, #tpu.memory_space<vmem>>) semaphore(%arg22 : memref<!tpu.dma_semaphore, #tpu.memory_space<semaphore_mem>>)
      } else {
      }
      %add3A_178 = arith.constant 4 : i32
      %add3A_179 = arith.addi %add3A_171, %add3A_178 : i32
      %sub3A_180 = arith.constant 1 : i32
      %sub3A_181 = arith.subi %add3A_179, %sub3A_180 : i32
      %lt3A_182 = arith.constant 50 : i32
      %lt3A_183 = arith.cmpi slt, %sub3A_181, %lt3A_182 : i32
      %lt3A_184 = arith.constant 1 : i32
      %lt3A_185 = arith.cmpi slt, %add3A_171, %lt3A_184 : i32
      %and3A_186 = arith.andi %lt3A_183, %lt3A_185 : i1
      %convert_element_type3A_187 = arith.extui %and3A_186 : i1 to i32
      %cond3A_188 = arith.constant 0 : i32
      %cond3A_189 = arith.cmpi ne, %convert_element_type3A_187, %cond3A_188 : i32
      scf.if %cond3A_189 {
        %dma_wait3A_322 = arith.constant 0 : i32
        %dma_wait3A_323 = arith.constant 0 : i32
        %dma_wait3A_324 = tpu.memref_slice %arg4[%dma_wait3A_322, %dma_wait3A_323] : memref<50x4096xi32, #tpu.memory_space<hbm>> -> memref<1x4096xi32, #tpu.memory_space<hbm>>
        %dma_wait3A_325 = tpu.memref_squeeze %dma_wait3A_324 : memref<1x4096xi32, #tpu.memory_space<hbm>> -> memref<4096xi32, #tpu.memory_space<hbm>>
        %dma_wait3A_326 = arith.constant 0 : i32
        %dma_wait3A_327 = tpu.memref_slice %arg4[%dma_wait3A_322, %dma_wait3A_326] : memref<50x4096xi32, #tpu.memory_space<hbm>> -> memref<1x4096xi32, #tpu.memory_space<hbm>>
        %dma_wait3A_328 = tpu.memref_squeeze %dma_wait3A_327 : memref<1x4096xi32, #tpu.memory_space<hbm>> -> memref<4096xi32, #tpu.memory_space<hbm>>
        tpu.wait_dma2 semaphore(%arg26 : memref<!tpu.dma_semaphore, #tpu.memory_space<semaphore_mem>>) src(%dma_wait3A_328 : memref<4096xi32, #tpu.memory_space<hbm>>) dst(%arg12 : memref<4096xi32, #tpu.memory_space<vmem>>)
        %mul3A_329 = arith.constant 1000064 : i32
        %mul3A_330 = arith.muli %add3A_4, %mul3A_329 : i32
        %multiple_of3A_331 = tpu.assume_multiple %mul3A_330, 128 : i32
        %dma_start3A_332 = tpu.memref_slice %arg6[%multiple_of3A_331] : memref<64004096xf32, #tpu.memory_space<hbm>> -> memref<1000064xf32, #tpu.memory_space<hbm>>
        %dma_start3A_333 = arith.constant 0 : i32
        %dma_start3A_334 = tpu.memref_slice %dma_start3A_332[%dma_start3A_333] : memref<1000064xf32, #tpu.memory_space<hbm>> -> memref<1000064xf32, #tpu.memory_space<hbm>>
        tpu.enqueue_indirect_dma source(%dma_start3A_334 : memref<1000064xf32, #tpu.memory_space<hbm>>) target(%arg16 : memref<4096xf32, #tpu.memory_space<vmem>>) offsets(%arg12 : memref<4096xi32, #tpu.memory_space<vmem>>) semaphore(%arg22 : memref<!tpu.dma_semaphore, #tpu.memory_space<semaphore_mem>>)
      } else {
      }
      %lt3A_190 = arith.constant 50 : i32
      %lt3A_191 = arith.cmpi slt, %add3A_171, %lt3A_190 : i32
      %convert_element_type3A_192 = arith.extui %lt3A_191 : i1 to i32
      %cond3A_193 = arith.constant 0 : i32
      %cond3A_194 = arith.cmpi ne, %convert_element_type3A_192, %cond3A_193 : i32
      scf.if %cond3A_194 {
        %dma_wait3A_322 = arith.constant 0 : i32
        %dma_wait3A_323 = tpu.memref_slice %arg6[%dma_wait3A_322] : memref<64004096xf32, #tpu.memory_space<hbm>> -> memref<4096xf32, #tpu.memory_space<hbm>>
        %dma_wait3A_324 = arith.constant 0 : i32
        %dma_wait3A_325 = tpu.memref_slice %arg6[%dma_wait3A_324] : memref<64004096xf32, #tpu.memory_space<hbm>> -> memref<4096xf32, #tpu.memory_space<hbm>>
        tpu.wait_dma2 semaphore(%arg19 : memref<!tpu.dma_semaphore, #tpu.memory_space<semaphore_mem>>) src(%dma_wait3A_325 : memref<4096xf32, #tpu.memory_space<hbm>>) dst(%arg13 : memref<4096xf32, #tpu.memory_space<vmem>>)
        %dma_start3A_326 = arith.constant 0 : i32
        %dma_start3A_327 = arith.constant 0 : i32
        %dma_start3A_328 = tpu.memref_slice %arg5[%add3A_171, %dma_start3A_326, %dma_start3A_327] : memref<50x64x4096xf32, #tpu.memory_space<hbm>> -> memref<1x64x4096xf32, #tpu.memory_space<hbm>>
        %dma_start3A_329 = tpu.memref_squeeze %dma_start3A_328 : memref<1x64x4096xf32, #tpu.memory_space<hbm>> -> memref<64x4096xf32, #tpu.memory_space<hbm>>
        %dma_start3A_330 = arith.constant 0 : i32
        %dma_start3A_331 = tpu.memref_slice %dma_start3A_329[%add3A_4, %dma_start3A_330] : memref<64x4096xf32, #tpu.memory_space<hbm>> -> memref<1x4096xf32, #tpu.memory_space<hbm>>
        %dma_start3A_332 = tpu.memref_squeeze %dma_start3A_331 : memref<1x4096xf32, #tpu.memory_space<hbm>> -> memref<4096xf32, #tpu.memory_space<hbm>>
        %dma_start3A_333 = arith.constant 0 : i32
        %dma_start3A_334 = arith.constant 0 : i32
        %dma_start3A_335 = tpu.memref_slice %arg5[%add3A_171, %dma_start3A_333, %dma_start3A_334] : memref<50x64x4096xf32, #tpu.memory_space<hbm>> -> memref<1x64x4096xf32, #tpu.memory_space<hbm>>
        %dma_start3A_336 = tpu.memref_squeeze %dma_start3A_335 : memref<1x64x4096xf32, #tpu.memory_space<hbm>> -> memref<64x4096xf32, #tpu.memory_space<hbm>>
        %dma_start3A_337 = arith.constant 0 : i32
        %dma_start3A_338 = tpu.memref_slice %dma_start3A_336[%add3A_4, %dma_start3A_337] : memref<64x4096xf32, #tpu.memory_space<hbm>> -> memref<1x4096xf32, #tpu.memory_space<hbm>>
        %dma_start3A_339 = tpu.memref_squeeze %dma_start3A_338 : memref<1x4096xf32, #tpu.memory_space<hbm>> -> memref<4096xf32, #tpu.memory_space<hbm>>
        tpu.enqueue_dma source(%arg13 : memref<4096xf32, #tpu.memory_space<vmem>>) target(%dma_start3A_339 : memref<4096xf32, #tpu.memory_space<hbm>>) target_semaphore(%arg27 : memref<!tpu.dma_semaphore, #tpu.memory_space<semaphore_mem>>)
      } else {
      }
      %add3A_195 = arith.constant 4 : i32
      %add3A_196 = arith.addi %add3A_171, %add3A_195 : i32
      %lt3A_197 = arith.constant 50 : i32
      %lt3A_198 = arith.cmpi slt, %add3A_196, %lt3A_197 : i32
      %convert_element_type3A_199 = arith.extui %lt3A_198 : i1 to i32
      %cond3A_200 = arith.constant 0 : i32
      %cond3A_201 = arith.cmpi ne, %convert_element_type3A_199, %cond3A_200 : i32
      scf.if %cond3A_201 {
        %add3A_322 = arith.constant 4 : i32
        %add3A_323 = arith.addi %add3A_171, %add3A_322 : i32
        %dma_start3A_324 = arith.constant 0 : i32
        %dma_start3A_325 = tpu.memref_slice %arg4[%add3A_323, %dma_start3A_324] : memref<50x4096xi32, #tpu.memory_space<hbm>> -> memref<1x4096xi32, #tpu.memory_space<hbm>>
        %dma_start3A_326 = tpu.memref_squeeze %dma_start3A_325 : memref<1x4096xi32, #tpu.memory_space<hbm>> -> memref<4096xi32, #tpu.memory_space<hbm>>
        %dma_start3A_327 = arith.constant 0 : i32
        %dma_start3A_328 = tpu.memref_slice %arg4[%add3A_323, %dma_start3A_327] : memref<50x4096xi32, #tpu.memory_space<hbm>> -> memref<1x4096xi32, #tpu.memory_space<hbm>>
        %dma_start3A_329 = tpu.memref_squeeze %dma_start3A_328 : memref<1x4096xi32, #tpu.memory_space<hbm>> -> memref<4096xi32, #tpu.memory_space<hbm>>
        tpu.enqueue_dma source(%dma_start3A_329 : memref<4096xi32, #tpu.memory_space<hbm>>) target(%arg9 : memref<4096xi32, #tpu.memory_space<vmem>>) target_semaphore(%arg23 : memref<!tpu.dma_semaphore, #tpu.memory_space<semaphore_mem>>)
      } else {
      }
      %mul3A_202 = arith.constant 4 : i32
      %mul3A_203 = arith.muli %mul3A_202, %scan3A_167 : i32
      %add3A_204 = arith.constant 1 : i32
      %add3A_205 = arith.addi %mul3A_203, %add3A_204 : i32
      %add3A_206 = arith.constant 4 : i32
      %add3A_207 = arith.addi %add3A_205, %add3A_206 : i32
      %sub3A_208 = arith.constant 1 : i32
      %sub3A_209 = arith.subi %add3A_207, %sub3A_208 : i32
      %lt3A_210 = arith.constant 50 : i32
      %lt3A_211 = arith.cmpi slt, %sub3A_209, %lt3A_210 : i32
      %ge3A_212 = arith.constant 1 : i32
      %ge3A_213 = arith.cmpi sge, %add3A_205, %ge3A_212 : i32
      %and3A_214 = arith.andi %lt3A_211, %ge3A_213 : i1
      %convert_element_type3A_215 = arith.extui %and3A_214 : i1 to i32
      %cond3A_216 = arith.constant 0 : i32
      %cond3A_217 = arith.cmpi ne, %convert_element_type3A_215, %cond3A_216 : i32
      scf.if %cond3A_217 {
        %dma_wait3A_322 = arith.constant 0 : i32
        %dma_wait3A_323 = tpu.memref_slice %arg6[%dma_wait3A_322] : memref<64004096xf32, #tpu.memory_space<hbm>> -> memref<4096xf32, #tpu.memory_space<hbm>>
        %dma_wait3A_324 = arith.constant 0 : i32
        %dma_wait3A_325 = tpu.memref_slice %arg6[%dma_wait3A_324] : memref<64004096xf32, #tpu.memory_space<hbm>> -> memref<4096xf32, #tpu.memory_space<hbm>>
        tpu.wait_dma2 semaphore(%arg27 : memref<!tpu.dma_semaphore, #tpu.memory_space<semaphore_mem>>) src(%dma_wait3A_325 : memref<4096xf32, #tpu.memory_space<hbm>>) dst(%arg13 : memref<4096xf32, #tpu.memory_space<vmem>>)
        %dma_wait3A_326 = arith.constant 0 : i32
        %dma_wait3A_327 = arith.constant 0 : i32
        %dma_wait3A_328 = tpu.memref_slice %arg4[%dma_wait3A_326, %dma_wait3A_327] : memref<50x4096xi32, #tpu.memory_space<hbm>> -> memref<1x4096xi32, #tpu.memory_space<hbm>>
        %dma_wait3A_329 = tpu.memref_squeeze %dma_wait3A_328 : memref<1x4096xi32, #tpu.memory_space<hbm>> -> memref<4096xi32, #tpu.memory_space<hbm>>
        %dma_wait3A_330 = arith.constant 0 : i32
        %dma_wait3A_331 = tpu.memref_slice %arg4[%dma_wait3A_326, %dma_wait3A_330] : memref<50x4096xi32, #tpu.memory_space<hbm>> -> memref<1x4096xi32, #tpu.memory_space<hbm>>
        %dma_wait3A_332 = tpu.memref_squeeze %dma_wait3A_331 : memref<1x4096xi32, #tpu.memory_space<hbm>> -> memref<4096xi32, #tpu.memory_space<hbm>>
        tpu.wait_dma2 semaphore(%arg23 : memref<!tpu.dma_semaphore, #tpu.memory_space<semaphore_mem>>) src(%dma_wait3A_332 : memref<4096xi32, #tpu.memory_space<hbm>>) dst(%arg9 : memref<4096xi32, #tpu.memory_space<vmem>>)
        %mul3A_333 = arith.constant 1000064 : i32
        %mul3A_334 = arith.muli %add3A_4, %mul3A_333 : i32
        %multiple_of3A_335 = tpu.assume_multiple %mul3A_334, 128 : i32
        %dma_start3A_336 = tpu.memref_slice %arg6[%multiple_of3A_335] : memref<64004096xf32, #tpu.memory_space<hbm>> -> memref<1000064xf32, #tpu.memory_space<hbm>>
        %dma_start3A_337 = arith.constant 0 : i32
        %dma_start3A_338 = tpu.memref_slice %dma_start3A_336[%dma_start3A_337] : memref<1000064xf32, #tpu.memory_space<hbm>> -> memref<1000064xf32, #tpu.memory_space<hbm>>
        tpu.enqueue_indirect_dma source(%dma_start3A_338 : memref<1000064xf32, #tpu.memory_space<hbm>>) target(%arg13 : memref<4096xf32, #tpu.memory_space<vmem>>) offsets(%arg9 : memref<4096xi32, #tpu.memory_space<vmem>>) semaphore(%arg19 : memref<!tpu.dma_semaphore, #tpu.memory_space<semaphore_mem>>)
      } else {
      }
      %add3A_218 = arith.constant 4 : i32
      %add3A_219 = arith.addi %add3A_205, %add3A_218 : i32
      %sub3A_220 = arith.constant 1 : i32
      %sub3A_221 = arith.subi %add3A_219, %sub3A_220 : i32
      %lt3A_222 = arith.constant 50 : i32
      %lt3A_223 = arith.cmpi slt, %sub3A_221, %lt3A_222 : i32
      %lt3A_224 = arith.constant 1 : i32
      %lt3A_225 = arith.cmpi slt, %add3A_205, %lt3A_224 : i32
      %and3A_226 = arith.andi %lt3A_223, %lt3A_225 : i1
      %convert_element_type3A_227 = arith.extui %and3A_226 : i1 to i32
      %cond3A_228 = arith.constant 0 : i32
      %cond3A_229 = arith.cmpi ne, %convert_element_type3A_227, %cond3A_228 : i32
      scf.if %cond3A_229 {
        %dma_wait3A_322 = arith.constant 0 : i32
        %dma_wait3A_323 = arith.constant 0 : i32
        %dma_wait3A_324 = tpu.memref_slice %arg4[%dma_wait3A_322, %dma_wait3A_323] : memref<50x4096xi32, #tpu.memory_space<hbm>> -> memref<1x4096xi32, #tpu.memory_space<hbm>>
        %dma_wait3A_325 = tpu.memref_squeeze %dma_wait3A_324 : memref<1x4096xi32, #tpu.memory_space<hbm>> -> memref<4096xi32, #tpu.memory_space<hbm>>
        %dma_wait3A_326 = arith.constant 0 : i32
        %dma_wait3A_327 = tpu.memref_slice %arg4[%dma_wait3A_322, %dma_wait3A_326] : memref<50x4096xi32, #tpu.memory_space<hbm>> -> memref<1x4096xi32, #tpu.memory_space<hbm>>
        %dma_wait3A_328 = tpu.memref_squeeze %dma_wait3A_327 : memref<1x4096xi32, #tpu.memory_space<hbm>> -> memref<4096xi32, #tpu.memory_space<hbm>>
        tpu.wait_dma2 semaphore(%arg23 : memref<!tpu.dma_semaphore, #tpu.memory_space<semaphore_mem>>) src(%dma_wait3A_328 : memref<4096xi32, #tpu.memory_space<hbm>>) dst(%arg9 : memref<4096xi32, #tpu.memory_space<vmem>>)
        %mul3A_329 = arith.constant 1000064 : i32
        %mul3A_330 = arith.muli %add3A_4, %mul3A_329 : i32
        %multiple_of3A_331 = tpu.assume_multiple %mul3A_330, 128 : i32
        %dma_start3A_332 = tpu.memref_slice %arg6[%multiple_of3A_331] : memref<64004096xf32, #tpu.memory_space<hbm>> -> memref<1000064xf32, #tpu.memory_space<hbm>>
        %dma_start3A_333 = arith.constant 0 : i32
        %dma_start3A_334 = tpu.memref_slice %dma_start3A_332[%dma_start3A_333] : memref<1000064xf32, #tpu.memory_space<hbm>> -> memref<1000064xf32, #tpu.memory_space<hbm>>
        tpu.enqueue_indirect_dma source(%dma_start3A_334 : memref<1000064xf32, #tpu.memory_space<hbm>>) target(%arg13 : memref<4096xf32, #tpu.memory_space<vmem>>) offsets(%arg9 : memref<4096xi32, #tpu.memory_space<vmem>>) semaphore(%arg19 : memref<!tpu.dma_semaphore, #tpu.memory_space<semaphore_mem>>)
      } else {
      }
      %lt3A_230 = arith.constant 50 : i32
      %lt3A_231 = arith.cmpi slt, %add3A_205, %lt3A_230 : i32
      %convert_element_type3A_232 = arith.extui %lt3A_231 : i1 to i32
      %cond3A_233 = arith.constant 0 : i32
      %cond3A_234 = arith.cmpi ne, %convert_element_type3A_232, %cond3A_233 : i32
      scf.if %cond3A_234 {
        %dma_wait3A_322 = arith.constant 0 : i32
        %dma_wait3A_323 = tpu.memref_slice %arg6[%dma_wait3A_322] : memref<64004096xf32, #tpu.memory_space<hbm>> -> memref<4096xf32, #tpu.memory_space<hbm>>
        %dma_wait3A_324 = arith.constant 0 : i32
        %dma_wait3A_325 = tpu.memref_slice %arg6[%dma_wait3A_324] : memref<64004096xf32, #tpu.memory_space<hbm>> -> memref<4096xf32, #tpu.memory_space<hbm>>
        tpu.wait_dma2 semaphore(%arg20 : memref<!tpu.dma_semaphore, #tpu.memory_space<semaphore_mem>>) src(%dma_wait3A_325 : memref<4096xf32, #tpu.memory_space<hbm>>) dst(%arg14 : memref<4096xf32, #tpu.memory_space<vmem>>)
        %dma_start3A_326 = arith.constant 0 : i32
        %dma_start3A_327 = arith.constant 0 : i32
        %dma_start3A_328 = tpu.memref_slice %arg5[%add3A_205, %dma_start3A_326, %dma_start3A_327] : memref<50x64x4096xf32, #tpu.memory_space<hbm>> -> memref<1x64x4096xf32, #tpu.memory_space<hbm>>
        %dma_start3A_329 = tpu.memref_squeeze %dma_start3A_328 : memref<1x64x4096xf32, #tpu.memory_space<hbm>> -> memref<64x4096xf32, #tpu.memory_space<hbm>>
        %dma_start3A_330 = arith.constant 0 : i32
        %dma_start3A_331 = tpu.memref_slice %dma_start3A_329[%add3A_4, %dma_start3A_330] : memref<64x4096xf32, #tpu.memory_space<hbm>> -> memref<1x4096xf32, #tpu.memory_space<hbm>>
        %dma_start3A_332 = tpu.memref_squeeze %dma_start3A_331 : memref<1x4096xf32, #tpu.memory_space<hbm>> -> memref<4096xf32, #tpu.memory_space<hbm>>
        %dma_start3A_333 = arith.constant 0 : i32
        %dma_start3A_334 = arith.constant 0 : i32
        %dma_start3A_335 = tpu.memref_slice %arg5[%add3A_205, %dma_start3A_333, %dma_start3A_334] : memref<50x64x4096xf32, #tpu.memory_space<hbm>> -> memref<1x64x4096xf32, #tpu.memory_space<hbm>>
        %dma_start3A_336 = tpu.memref_squeeze %dma_start3A_335 : memref<1x64x4096xf32, #tpu.memory_space<hbm>> -> memref<64x4096xf32, #tpu.memory_space<hbm>>
        %dma_start3A_337 = arith.constant 0 : i32
        %dma_start3A_338 = tpu.memref_slice %dma_start3A_336[%add3A_4, %dma_start3A_337] : memref<64x4096xf32, #tpu.memory_space<hbm>> -> memref<1x4096xf32, #tpu.memory_space<hbm>>
        %dma_start3A_339 = tpu.memref_squeeze %dma_start3A_338 : memref<1x4096xf32, #tpu.memory_space<hbm>> -> memref<4096xf32, #tpu.memory_space<hbm>>
        tpu.enqueue_dma source(%arg14 : memref<4096xf32, #tpu.memory_space<vmem>>) target(%dma_start3A_339 : memref<4096xf32, #tpu.memory_space<hbm>>) target_semaphore(%arg28 : memref<!tpu.dma_semaphore, #tpu.memory_space<semaphore_mem>>)
      } else {
      }
      %add3A_235 = arith.constant 4 : i32
      %add3A_236 = arith.addi %add3A_205, %add3A_235 : i32
      %lt3A_237 = arith.constant 50 : i32
      %lt3A_238 = arith.cmpi slt, %add3A_236, %lt3A_237 : i32
      %convert_element_type3A_239 = arith.extui %lt3A_238 : i1 to i32
      %cond3A_240 = arith.constant 0 : i32
      %cond3A_241 = arith.cmpi ne, %convert_element_type3A_239, %cond3A_240 : i32
      scf.if %cond3A_241 {
        %add3A_322 = arith.constant 4 : i32
        %add3A_323 = arith.addi %add3A_205, %add3A_322 : i32
        %dma_start3A_324 = arith.constant 0 : i32
        %dma_start3A_325 = tpu.memref_slice %arg4[%add3A_323, %dma_start3A_324] : memref<50x4096xi32, #tpu.memory_space<hbm>> -> memref<1x4096xi32, #tpu.memory_space<hbm>>
        %dma_start3A_326 = tpu.memref_squeeze %dma_start3A_325 : memref<1x4096xi32, #tpu.memory_space<hbm>> -> memref<4096xi32, #tpu.memory_space<hbm>>
        %dma_start3A_327 = arith.constant 0 : i32
        %dma_start3A_328 = tpu.memref_slice %arg4[%add3A_323, %dma_start3A_327] : memref<50x4096xi32, #tpu.memory_space<hbm>> -> memref<1x4096xi32, #tpu.memory_space<hbm>>
        %dma_start3A_329 = tpu.memref_squeeze %dma_start3A_328 : memref<1x4096xi32, #tpu.memory_space<hbm>> -> memref<4096xi32, #tpu.memory_space<hbm>>
        tpu.enqueue_dma source(%dma_start3A_329 : memref<4096xi32, #tpu.memory_space<hbm>>) target(%arg10 : memref<4096xi32, #tpu.memory_space<vmem>>) target_semaphore(%arg24 : memref<!tpu.dma_semaphore, #tpu.memory_space<semaphore_mem>>)
      } else {
      }
      %mul3A_242 = arith.constant 4 : i32
      %mul3A_243 = arith.muli %mul3A_242, %scan3A_167 : i32
      %add3A_244 = arith.constant 2 : i32
      %add3A_245 = arith.addi %mul3A_243, %add3A_244 : i32
      %add3A_246 = arith.constant 4 : i32
      %add3A_247 = arith.addi %add3A_245, %add3A_246 : i32
      %sub3A_248 = arith.constant 1 : i32
      %sub3A_249 = arith.subi %add3A_247, %sub3A_248 : i32
      %lt3A_250 = arith.constant 50 : i32
      %lt3A_251 = arith.cmpi slt, %sub3A_249, %lt3A_250 : i32
      %ge3A_252 = arith.constant 1 : i32
      %ge3A_253 = arith.cmpi sge, %add3A_245, %ge3A_252 : i32
      %and3A_254 = arith.andi %lt3A_251, %ge3A_253 : i1
      %convert_element_type3A_255 = arith.extui %and3A_254 : i1 to i32
      %cond3A_256 = arith.constant 0 : i32
      %cond3A_257 = arith.cmpi ne, %convert_element_type3A_255, %cond3A_256 : i32
      scf.if %cond3A_257 {
        %dma_wait3A_322 = arith.constant 0 : i32
        %dma_wait3A_323 = tpu.memref_slice %arg6[%dma_wait3A_322] : memref<64004096xf32, #tpu.memory_space<hbm>> -> memref<4096xf32, #tpu.memory_space<hbm>>
        %dma_wait3A_324 = arith.constant 0 : i32
        %dma_wait3A_325 = tpu.memref_slice %arg6[%dma_wait3A_324] : memref<64004096xf32, #tpu.memory_space<hbm>> -> memref<4096xf32, #tpu.memory_space<hbm>>
        tpu.wait_dma2 semaphore(%arg28 : memref<!tpu.dma_semaphore, #tpu.memory_space<semaphore_mem>>) src(%dma_wait3A_325 : memref<4096xf32, #tpu.memory_space<hbm>>) dst(%arg14 : memref<4096xf32, #tpu.memory_space<vmem>>)
        %dma_wait3A_326 = arith.constant 0 : i32
        %dma_wait3A_327 = arith.constant 0 : i32
        %dma_wait3A_328 = tpu.memref_slice %arg4[%dma_wait3A_326, %dma_wait3A_327] : memref<50x4096xi32, #tpu.memory_space<hbm>> -> memref<1x4096xi32, #tpu.memory_space<hbm>>
        %dma_wait3A_329 = tpu.memref_squeeze %dma_wait3A_328 : memref<1x4096xi32, #tpu.memory_space<hbm>> -> memref<4096xi32, #tpu.memory_space<hbm>>
        %dma_wait3A_330 = arith.constant 0 : i32
        %dma_wait3A_331 = tpu.memref_slice %arg4[%dma_wait3A_326, %dma_wait3A_330] : memref<50x4096xi32, #tpu.memory_space<hbm>> -> memref<1x4096xi32, #tpu.memory_space<hbm>>
        %dma_wait3A_332 = tpu.memref_squeeze %dma_wait3A_331 : memref<1x4096xi32, #tpu.memory_space<hbm>> -> memref<4096xi32, #tpu.memory_space<hbm>>
        tpu.wait_dma2 semaphore(%arg24 : memref<!tpu.dma_semaphore, #tpu.memory_space<semaphore_mem>>) src(%dma_wait3A_332 : memref<4096xi32, #tpu.memory_space<hbm>>) dst(%arg10 : memref<4096xi32, #tpu.memory_space<vmem>>)
        %mul3A_333 = arith.constant 1000064 : i32
        %mul3A_334 = arith.muli %add3A_4, %mul3A_333 : i32
        %multiple_of3A_335 = tpu.assume_multiple %mul3A_334, 128 : i32
        %dma_start3A_336 = tpu.memref_slice %arg6[%multiple_of3A_335] : memref<64004096xf32, #tpu.memory_space<hbm>> -> memref<1000064xf32, #tpu.memory_space<hbm>>
        %dma_start3A_337 = arith.constant 0 : i32
        %dma_start3A_338 = tpu.memref_slice %dma_start3A_336[%dma_start3A_337] : memref<1000064xf32, #tpu.memory_space<hbm>> -> memref<1000064xf32, #tpu.memory_space<hbm>>
        tpu.enqueue_indirect_dma source(%dma_start3A_338 : memref<1000064xf32, #tpu.memory_space<hbm>>) target(%arg14 : memref<4096xf32, #tpu.memory_space<vmem>>) offsets(%arg10 : memref<4096xi32, #tpu.memory_space<vmem>>) semaphore(%arg20 : memref<!tpu.dma_semaphore, #tpu.memory_space<semaphore_mem>>)
      } else {
      }
      %add3A_258 = arith.constant 4 : i32
      %add3A_259 = arith.addi %add3A_245, %add3A_258 : i32
      %sub3A_260 = arith.constant 1 : i32
      %sub3A_261 = arith.subi %add3A_259, %sub3A_260 : i32
      %lt3A_262 = arith.constant 50 : i32
      %lt3A_263 = arith.cmpi slt, %sub3A_261, %lt3A_262 : i32
      %lt3A_264 = arith.constant 1 : i32
      %lt3A_265 = arith.cmpi slt, %add3A_245, %lt3A_264 : i32
      %and3A_266 = arith.andi %lt3A_263, %lt3A_265 : i1
      %convert_element_type3A_267 = arith.extui %and3A_266 : i1 to i32
      %cond3A_268 = arith.constant 0 : i32
      %cond3A_269 = arith.cmpi ne, %convert_element_type3A_267, %cond3A_268 : i32
      scf.if %cond3A_269 {
        %dma_wait3A_322 = arith.constant 0 : i32
        %dma_wait3A_323 = arith.constant 0 : i32
        %dma_wait3A_324 = tpu.memref_slice %arg4[%dma_wait3A_322, %dma_wait3A_323] : memref<50x4096xi32, #tpu.memory_space<hbm>> -> memref<1x4096xi32, #tpu.memory_space<hbm>>
        %dma_wait3A_325 = tpu.memref_squeeze %dma_wait3A_324 : memref<1x4096xi32, #tpu.memory_space<hbm>> -> memref<4096xi32, #tpu.memory_space<hbm>>
        %dma_wait3A_326 = arith.constant 0 : i32
        %dma_wait3A_327 = tpu.memref_slice %arg4[%dma_wait3A_322, %dma_wait3A_326] : memref<50x4096xi32, #tpu.memory_space<hbm>> -> memref<1x4096xi32, #tpu.memory_space<hbm>>
        %dma_wait3A_328 = tpu.memref_squeeze %dma_wait3A_327 : memref<1x4096xi32, #tpu.memory_space<hbm>> -> memref<4096xi32, #tpu.memory_space<hbm>>
        tpu.wait_dma2 semaphore(%arg24 : memref<!tpu.dma_semaphore, #tpu.memory_space<semaphore_mem>>) src(%dma_wait3A_328 : memref<4096xi32, #tpu.memory_space<hbm>>) dst(%arg10 : memref<4096xi32, #tpu.memory_space<vmem>>)
        %mul3A_329 = arith.constant 1000064 : i32
        %mul3A_330 = arith.muli %add3A_4, %mul3A_329 : i32
        %multiple_of3A_331 = tpu.assume_multiple %mul3A_330, 128 : i32
        %dma_start3A_332 = tpu.memref_slice %arg6[%multiple_of3A_331] : memref<64004096xf32, #tpu.memory_space<hbm>> -> memref<1000064xf32, #tpu.memory_space<hbm>>
        %dma_start3A_333 = arith.constant 0 : i32
        %dma_start3A_334 = tpu.memref_slice %dma_start3A_332[%dma_start3A_333] : memref<1000064xf32, #tpu.memory_space<hbm>> -> memref<1000064xf32, #tpu.memory_space<hbm>>
        tpu.enqueue_indirect_dma source(%dma_start3A_334 : memref<1000064xf32, #tpu.memory_space<hbm>>) target(%arg14 : memref<4096xf32, #tpu.memory_space<vmem>>) offsets(%arg10 : memref<4096xi32, #tpu.memory_space<vmem>>) semaphore(%arg20 : memref<!tpu.dma_semaphore, #tpu.memory_space<semaphore_mem>>)
      } else {
      }
      %lt3A_270 = arith.constant 50 : i32
      %lt3A_271 = arith.cmpi slt, %add3A_245, %lt3A_270 : i32
      %convert_element_type3A_272 = arith.extui %lt3A_271 : i1 to i32
      %cond3A_273 = arith.constant 0 : i32
      %cond3A_274 = arith.cmpi ne, %convert_element_type3A_272, %cond3A_273 : i32
      scf.if %cond3A_274 {
        %dma_wait3A_322 = arith.constant 0 : i32
        %dma_wait3A_323 = tpu.memref_slice %arg6[%dma_wait3A_322] : memref<64004096xf32, #tpu.memory_space<hbm>> -> memref<4096xf32, #tpu.memory_space<hbm>>
        %dma_wait3A_324 = arith.constant 0 : i32
        %dma_wait3A_325 = tpu.memref_slice %arg6[%dma_wait3A_324] : memref<64004096xf32, #tpu.memory_space<hbm>> -> memref<4096xf32, #tpu.memory_space<hbm>>
        tpu.wait_dma2 semaphore(%arg21 : memref<!tpu.dma_semaphore, #tpu.memory_space<semaphore_mem>>) src(%dma_wait3A_325 : memref<4096xf32, #tpu.memory_space<hbm>>) dst(%arg15 : memref<4096xf32, #tpu.memory_space<vmem>>)
        %dma_start3A_326 = arith.constant 0 : i32
        %dma_start3A_327 = arith.constant 0 : i32
        %dma_start3A_328 = tpu.memref_slice %arg5[%add3A_245, %dma_start3A_326, %dma_start3A_327] : memref<50x64x4096xf32, #tpu.memory_space<hbm>> -> memref<1x64x4096xf32, #tpu.memory_space<hbm>>
        %dma_start3A_329 = tpu.memref_squeeze %dma_start3A_328 : memref<1x64x4096xf32, #tpu.memory_space<hbm>> -> memref<64x4096xf32, #tpu.memory_space<hbm>>
        %dma_start3A_330 = arith.constant 0 : i32
        %dma_start3A_331 = tpu.memref_slice %dma_start3A_329[%add3A_4, %dma_start3A_330] : memref<64x4096xf32, #tpu.memory_space<hbm>> -> memref<1x4096xf32, #tpu.memory_space<hbm>>
        %dma_start3A_332 = tpu.memref_squeeze %dma_start3A_331 : memref<1x4096xf32, #tpu.memory_space<hbm>> -> memref<4096xf32, #tpu.memory_space<hbm>>
        %dma_start3A_333 = arith.constant 0 : i32
        %dma_start3A_334 = arith.constant 0 : i32
        %dma_start3A_335 = tpu.memref_slice %arg5[%add3A_245, %dma_start3A_333, %dma_start3A_334] : memref<50x64x4096xf32, #tpu.memory_space<hbm>> -> memref<1x64x4096xf32, #tpu.memory_space<hbm>>
        %dma_start3A_336 = tpu.memref_squeeze %dma_start3A_335 : memref<1x64x4096xf32, #tpu.memory_space<hbm>> -> memref<64x4096xf32, #tpu.memory_space<hbm>>
        %dma_start3A_337 = arith.constant 0 : i32
        %dma_start3A_338 = tpu.memref_slice %dma_start3A_336[%add3A_4, %dma_start3A_337] : memref<64x4096xf32, #tpu.memory_space<hbm>> -> memref<1x4096xf32, #tpu.memory_space<hbm>>
        %dma_start3A_339 = tpu.memref_squeeze %dma_start3A_338 : memref<1x4096xf32, #tpu.memory_space<hbm>> -> memref<4096xf32, #tpu.memory_space<hbm>>
        tpu.enqueue_dma source(%arg15 : memref<4096xf32, #tpu.memory_space<vmem>>) target(%dma_start3A_339 : memref<4096xf32, #tpu.memory_space<hbm>>) target_semaphore(%arg29 : memref<!tpu.dma_semaphore, #tpu.memory_space<semaphore_mem>>)
      } else {
      }
      %add3A_275 = arith.constant 4 : i32
      %add3A_276 = arith.addi %add3A_245, %add3A_275 : i32
      %lt3A_277 = arith.constant 50 : i32
      %lt3A_278 = arith.cmpi slt, %add3A_276, %lt3A_277 : i32
      %convert_element_type3A_279 = arith.extui %lt3A_278 : i1 to i32
      %cond3A_280 = arith.constant 0 : i32
      %cond3A_281 = arith.cmpi ne, %convert_element_type3A_279, %cond3A_280 : i32
      scf.if %cond3A_281 {
        %add3A_322 = arith.constant 4 : i32
        %add3A_323 = arith.addi %add3A_245, %add3A_322 : i32
        %dma_start3A_324 = arith.constant 0 : i32
        %dma_start3A_325 = tpu.memref_slice %arg4[%add3A_323, %dma_start3A_324] : memref<50x4096xi32, #tpu.memory_space<hbm>> -> memref<1x4096xi32, #tpu.memory_space<hbm>>
        %dma_start3A_326 = tpu.memref_squeeze %dma_start3A_325 : memref<1x4096xi32, #tpu.memory_space<hbm>> -> memref<4096xi32, #tpu.memory_space<hbm>>
        %dma_start3A_327 = arith.constant 0 : i32
        %dma_start3A_328 = tpu.memref_slice %arg4[%add3A_323, %dma_start3A_327] : memref<50x4096xi32, #tpu.memory_space<hbm>> -> memref<1x4096xi32, #tpu.memory_space<hbm>>
        %dma_start3A_329 = tpu.memref_squeeze %dma_start3A_328 : memref<1x4096xi32, #tpu.memory_space<hbm>> -> memref<4096xi32, #tpu.memory_space<hbm>>
        tpu.enqueue_dma source(%dma_start3A_329 : memref<4096xi32, #tpu.memory_space<hbm>>) target(%arg11 : memref<4096xi32, #tpu.memory_space<vmem>>) target_semaphore(%arg25 : memref<!tpu.dma_semaphore, #tpu.memory_space<semaphore_mem>>)
      } else {
      }
      %mul3A_282 = arith.constant 4 : i32
      %mul3A_283 = arith.muli %mul3A_282, %scan3A_167 : i32
      %add3A_284 = arith.constant 3 : i32
      %add3A_285 = arith.addi %mul3A_283, %add3A_284 : i32
      %add3A_286 = arith.constant 4 : i32
      %add3A_287 = arith.addi %add3A_285, %add3A_286 : i32
      %sub3A_288 = arith.constant 1 : i32
      %sub3A_289 = arith.subi %add3A_287, %sub3A_288 : i32
      %lt3A_290 = arith.constant 50 : i32
      %lt3A_291 = arith.cmpi slt, %sub3A_289, %lt3A_290 : i32
      %ge3A_292 = arith.constant 1 : i32
      %ge3A_293 = arith.cmpi sge, %add3A_285, %ge3A_292 : i32
      %and3A_294 = arith.andi %lt3A_291, %ge3A_293 : i1
      %convert_element_type3A_295 = arith.extui %and3A_294 : i1 to i32
      %cond3A_296 = arith.constant 0 : i32
      %cond3A_297 = arith.cmpi ne, %convert_element_type3A_295, %cond3A_296 : i32
      scf.if %cond3A_297 {
        %dma_wait3A_322 = arith.constant 0 : i32
        %dma_wait3A_323 = tpu.memref_slice %arg6[%dma_wait3A_322] : memref<64004096xf32, #tpu.memory_space<hbm>> -> memref<4096xf32, #tpu.memory_space<hbm>>
        %dma_wait3A_324 = arith.constant 0 : i32
        %dma_wait3A_325 = tpu.memref_slice %arg6[%dma_wait3A_324] : memref<64004096xf32, #tpu.memory_space<hbm>> -> memref<4096xf32, #tpu.memory_space<hbm>>
        tpu.wait_dma2 semaphore(%arg29 : memref<!tpu.dma_semaphore, #tpu.memory_space<semaphore_mem>>) src(%dma_wait3A_325 : memref<4096xf32, #tpu.memory_space<hbm>>) dst(%arg15 : memref<4096xf32, #tpu.memory_space<vmem>>)
        %dma_wait3A_326 = arith.constant 0 : i32
        %dma_wait3A_327 = arith.constant 0 : i32
        %dma_wait3A_328 = tpu.memref_slice %arg4[%dma_wait3A_326, %dma_wait3A_327] : memref<50x4096xi32, #tpu.memory_space<hbm>> -> memref<1x4096xi32, #tpu.memory_space<hbm>>
        %dma_wait3A_329 = tpu.memref_squeeze %dma_wait3A_328 : memref<1x4096xi32, #tpu.memory_space<hbm>> -> memref<4096xi32, #tpu.memory_space<hbm>>
        %dma_wait3A_330 = arith.constant 0 : i32
        %dma_wait3A_331 = tpu.memref_slice %arg4[%dma_wait3A_326, %dma_wait3A_330] : memref<50x4096xi32, #tpu.memory_space<hbm>> -> memref<1x4096xi32, #tpu.memory_space<hbm>>
        %dma_wait3A_332 = tpu.memref_squeeze %dma_wait3A_331 : memref<1x4096xi32, #tpu.memory_space<hbm>> -> memref<4096xi32, #tpu.memory_space<hbm>>
        tpu.wait_dma2 semaphore(%arg25 : memref<!tpu.dma_semaphore, #tpu.memory_space<semaphore_mem>>) src(%dma_wait3A_332 : memref<4096xi32, #tpu.memory_space<hbm>>) dst(%arg11 : memref<4096xi32, #tpu.memory_space<vmem>>)
        %mul3A_333 = arith.constant 1000064 : i32
        %mul3A_334 = arith.muli %add3A_4, %mul3A_333 : i32
        %multiple_of3A_335 = tpu.assume_multiple %mul3A_334, 128 : i32
        %dma_start3A_336 = tpu.memref_slice %arg6[%multiple_of3A_335] : memref<64004096xf32, #tpu.memory_space<hbm>> -> memref<1000064xf32, #tpu.memory_space<hbm>>
        %dma_start3A_337 = arith.constant 0 : i32
        %dma_start3A_338 = tpu.memref_slice %dma_start3A_336[%dma_start3A_337] : memref<1000064xf32, #tpu.memory_space<hbm>> -> memref<1000064xf32, #tpu.memory_space<hbm>>
        tpu.enqueue_indirect_dma source(%dma_start3A_338 : memref<1000064xf32, #tpu.memory_space<hbm>>) target(%arg15 : memref<4096xf32, #tpu.memory_space<vmem>>) offsets(%arg11 : memref<4096xi32, #tpu.memory_space<vmem>>) semaphore(%arg21 : memref<!tpu.dma_semaphore, #tpu.memory_space<semaphore_mem>>)
      } else {
      }
      %add3A_298 = arith.constant 4 : i32
      %add3A_299 = arith.addi %add3A_285, %add3A_298 : i32
      %sub3A_300 = arith.constant 1 : i32
      %sub3A_301 = arith.subi %add3A_299, %sub3A_300 : i32
      %lt3A_302 = arith.constant 50 : i32
      %lt3A_303 = arith.cmpi slt, %sub3A_301, %lt3A_302 : i32
      %lt3A_304 = arith.constant 1 : i32
      %lt3A_305 = arith.cmpi slt, %add3A_285, %lt3A_304 : i32
      %and3A_306 = arith.andi %lt3A_303, %lt3A_305 : i1
      %convert_element_type3A_307 = arith.extui %and3A_306 : i1 to i32
      %cond3A_308 = arith.constant 0 : i32
      %cond3A_309 = arith.cmpi ne, %convert_element_type3A_307, %cond3A_308 : i32
      scf.if %cond3A_309 {
        %dma_wait3A_322 = arith.constant 0 : i32
        %dma_wait3A_323 = arith.constant 0 : i32
        %dma_wait3A_324 = tpu.memref_slice %arg4[%dma_wait3A_322, %dma_wait3A_323] : memref<50x4096xi32, #tpu.memory_space<hbm>> -> memref<1x4096xi32, #tpu.memory_space<hbm>>
        %dma_wait3A_325 = tpu.memref_squeeze %dma_wait3A_324 : memref<1x4096xi32, #tpu.memory_space<hbm>> -> memref<4096xi32, #tpu.memory_space<hbm>>
        %dma_wait3A_326 = arith.constant 0 : i32
        %dma_wait3A_327 = tpu.memref_slice %arg4[%dma_wait3A_322, %dma_wait3A_326] : memref<50x4096xi32, #tpu.memory_space<hbm>> -> memref<1x4096xi32, #tpu.memory_space<hbm>>
        %dma_wait3A_328 = tpu.memref_squeeze %dma_wait3A_327 : memref<1x4096xi32, #tpu.memory_space<hbm>> -> memref<4096xi32, #tpu.memory_space<hbm>>
        tpu.wait_dma2 semaphore(%arg25 : memref<!tpu.dma_semaphore, #tpu.memory_space<semaphore_mem>>) src(%dma_wait3A_328 : memref<4096xi32, #tpu.memory_space<hbm>>) dst(%arg11 : memref<4096xi32, #tpu.memory_space<vmem>>)
        %mul3A_329 = arith.constant 1000064 : i32
        %mul3A_330 = arith.muli %add3A_4, %mul3A_329 : i32
        %multiple_of3A_331 = tpu.assume_multiple %mul3A_330, 128 : i32
        %dma_start3A_332 = tpu.memref_slice %arg6[%multiple_of3A_331] : memref<64004096xf32, #tpu.memory_space<hbm>> -> memref<1000064xf32, #tpu.memory_space<hbm>>
        %dma_start3A_333 = arith.constant 0 : i32
        %dma_start3A_334 = tpu.memref_slice %dma_start3A_332[%dma_start3A_333] : memref<1000064xf32, #tpu.memory_space<hbm>> -> memref<1000064xf32, #tpu.memory_space<hbm>>
        tpu.enqueue_indirect_dma source(%dma_start3A_334 : memref<1000064xf32, #tpu.memory_space<hbm>>) target(%arg15 : memref<4096xf32, #tpu.memory_space<vmem>>) offsets(%arg11 : memref<4096xi32, #tpu.memory_space<vmem>>) semaphore(%arg21 : memref<!tpu.dma_semaphore, #tpu.memory_space<semaphore_mem>>)
      } else {
      }
      %lt3A_310 = arith.constant 50 : i32
      %lt3A_311 = arith.cmpi slt, %add3A_285, %lt3A_310 : i32
      %convert_element_type3A_312 = arith.extui %lt3A_311 : i1 to i32
      %cond3A_313 = arith.constant 0 : i32
      %cond3A_314 = arith.cmpi ne, %convert_element_type3A_312, %cond3A_313 : i32
      scf.if %cond3A_314 {
        %dma_wait3A_322 = arith.constant 0 : i32
        %dma_wait3A_323 = tpu.memref_slice %arg6[%dma_wait3A_322] : memref<64004096xf32, #tpu.memory_space<hbm>> -> memref<4096xf32, #tpu.memory_space<hbm>>
        %dma_wait3A_324 = arith.constant 0 : i32
        %dma_wait3A_325 = tpu.memref_slice %arg6[%dma_wait3A_324] : memref<64004096xf32, #tpu.memory_space<hbm>> -> memref<4096xf32, #tpu.memory_space<hbm>>
        tpu.wait_dma2 semaphore(%arg22 : memref<!tpu.dma_semaphore, #tpu.memory_space<semaphore_mem>>) src(%dma_wait3A_325 : memref<4096xf32, #tpu.memory_space<hbm>>) dst(%arg16 : memref<4096xf32, #tpu.memory_space<vmem>>)
        %dma_start3A_326 = arith.constant 0 : i32
        %dma_start3A_327 = arith.constant 0 : i32
        %dma_start3A_328 = tpu.memref_slice %arg5[%add3A_285, %dma_start3A_326, %dma_start3A_327] : memref<50x64x4096xf32, #tpu.memory_space<hbm>> -> memref<1x64x4096xf32, #tpu.memory_space<hbm>>
        %dma_start3A_329 = tpu.memref_squeeze %dma_start3A_328 : memref<1x64x4096xf32, #tpu.memory_space<hbm>> -> memref<64x4096xf32, #tpu.memory_space<hbm>>
        %dma_start3A_330 = arith.constant 0 : i32
        %dma_start3A_331 = tpu.memref_slice %dma_start3A_329[%add3A_4, %dma_start3A_330] : memref<64x4096xf32, #tpu.memory_space<hbm>> -> memref<1x4096xf32, #tpu.memory_space<hbm>>
        %dma_start3A_332 = tpu.memref_squeeze %dma_start3A_331 : memref<1x4096xf32, #tpu.memory_space<hbm>> -> memref<4096xf32, #tpu.memory_space<hbm>>
        %dma_start3A_333 = arith.constant 0 : i32
        %dma_start3A_334 = arith.constant 0 : i32
        %dma_start3A_335 = tpu.memref_slice %arg5[%add3A_285, %dma_start3A_333, %dma_start3A_334] : memref<50x64x4096xf32, #tpu.memory_space<hbm>> -> memref<1x64x4096xf32, #tpu.memory_space<hbm>>
        %dma_start3A_336 = tpu.memref_squeeze %dma_start3A_335 : memref<1x64x4096xf32, #tpu.memory_space<hbm>> -> memref<64x4096xf32, #tpu.memory_space<hbm>>
        %dma_start3A_337 = arith.constant 0 : i32
        %dma_start3A_338 = tpu.memref_slice %dma_start3A_336[%add3A_4, %dma_start3A_337] : memref<64x4096xf32, #tpu.memory_space<hbm>> -> memref<1x4096xf32, #tpu.memory_space<hbm>>
        %dma_start3A_339 = tpu.memref_squeeze %dma_start3A_338 : memref<1x4096xf32, #tpu.memory_space<hbm>> -> memref<4096xf32, #tpu.memory_space<hbm>>
        tpu.enqueue_dma source(%arg16 : memref<4096xf32, #tpu.memory_space<vmem>>) target(%dma_start3A_339 : memref<4096xf32, #tpu.memory_space<hbm>>) target_semaphore(%arg30 : memref<!tpu.dma_semaphore, #tpu.memory_space<semaphore_mem>>)
      } else {
      }
      %add3A_315 = arith.constant 4 : i32
      %add3A_316 = arith.addi %add3A_285, %add3A_315 : i32
      %lt3A_317 = arith.constant 50 : i32
      %lt3A_318 = arith.cmpi slt, %add3A_316, %lt3A_317 : i32
      %convert_element_type3A_319 = arith.extui %lt3A_318 : i1 to i32
      %cond3A_320 = arith.constant 0 : i32
      %cond3A_321 = arith.cmpi ne, %convert_element_type3A_319, %cond3A_320 : i32
      scf.if %cond3A_321 {
        %add3A_322 = arith.constant 4 : i32
        %add3A_323 = arith.addi %add3A_285, %add3A_322 : i32
        %dma_start3A_324 = arith.constant 0 : i32
        %dma_start3A_325 = tpu.memref_slice %arg4[%add3A_323, %dma_start3A_324] : memref<50x4096xi32, #tpu.memory_space<hbm>> -> memref<1x4096xi32, #tpu.memory_space<hbm>>
        %dma_start3A_326 = tpu.memref_squeeze %dma_start3A_325 : memref<1x4096xi32, #tpu.memory_space<hbm>> -> memref<4096xi32, #tpu.memory_space<hbm>>
        %dma_start3A_327 = arith.constant 0 : i32
        %dma_start3A_328 = tpu.memref_slice %arg4[%add3A_323, %dma_start3A_327] : memref<50x4096xi32, #tpu.memory_space<hbm>> -> memref<1x4096xi32, #tpu.memory_space<hbm>>
        %dma_start3A_329 = tpu.memref_squeeze %dma_start3A_328 : memref<1x4096xi32, #tpu.memory_space<hbm>> -> memref<4096xi32, #tpu.memory_space<hbm>>
        tpu.enqueue_dma source(%dma_start3A_329 : memref<4096xi32, #tpu.memory_space<hbm>>) target(%arg12 : memref<4096xi32, #tpu.memory_space<vmem>>) target_semaphore(%arg26 : memref<!tpu.dma_semaphore, #tpu.memory_space<semaphore_mem>>)
      } else {
      }
    }
    %scan3A_150 = arith.constant 13 : i32
    %dma_wait3A_151 = arith.constant 0 : i32
    %dma_wait3A_152 = tpu.memref_slice %arg6[%dma_wait3A_151] : memref<64004096xf32, #tpu.memory_space<hbm>> -> memref<4096xf32, #tpu.memory_space<hbm>>
    %dma_wait3A_153 = arith.constant 0 : i32
    %dma_wait3A_154 = tpu.memref_slice %arg6[%dma_wait3A_153] : memref<64004096xf32, #tpu.memory_space<hbm>> -> memref<4096xf32, #tpu.memory_space<hbm>>
    tpu.wait_dma2 semaphore(%arg27 : memref<!tpu.dma_semaphore, #tpu.memory_space<semaphore_mem>>) src(%dma_wait3A_154 : memref<4096xf32, #tpu.memory_space<hbm>>) dst(%arg13 : memref<4096xf32, #tpu.memory_space<vmem>>)
    %dma_wait3A_155 = arith.constant 0 : i32
    %dma_wait3A_156 = tpu.memref_slice %arg6[%dma_wait3A_155] : memref<64004096xf32, #tpu.memory_space<hbm>> -> memref<4096xf32, #tpu.memory_space<hbm>>
    %dma_wait3A_157 = arith.constant 0 : i32
    %dma_wait3A_158 = tpu.memref_slice %arg6[%dma_wait3A_157] : memref<64004096xf32, #tpu.memory_space<hbm>> -> memref<4096xf32, #tpu.memory_space<hbm>>
    tpu.wait_dma2 semaphore(%arg28 : memref<!tpu.dma_semaphore, #tpu.memory_space<semaphore_mem>>) src(%dma_wait3A_158 : memref<4096xf32, #tpu.memory_space<hbm>>) dst(%arg14 : memref<4096xf32, #tpu.memory_space<vmem>>)
    %dma_wait3A_159 = arith.constant 0 : i32
    %dma_wait3A_160 = tpu.memref_slice %arg6[%dma_wait3A_159] : memref<64004096xf32, #tpu.memory_space<hbm>> -> memref<4096xf32, #tpu.memory_space<hbm>>
    %dma_wait3A_161 = arith.constant 0 : i32
    %dma_wait3A_162 = tpu.memref_slice %arg6[%dma_wait3A_161] : memref<64004096xf32, #tpu.memory_space<hbm>> -> memref<4096xf32, #tpu.memory_space<hbm>>
    tpu.wait_dma2 semaphore(%arg29 : memref<!tpu.dma_semaphore, #tpu.memory_space<semaphore_mem>>) src(%dma_wait3A_162 : memref<4096xf32, #tpu.memory_space<hbm>>) dst(%arg15 : memref<4096xf32, #tpu.memory_space<vmem>>)
    %dma_wait3A_163 = arith.constant 0 : i32
    %dma_wait3A_164 = tpu.memref_slice %arg6[%dma_wait3A_163] : memref<64004096xf32, #tpu.memory_space<hbm>> -> memref<4096xf32, #tpu.memory_space<hbm>>
    %dma_wait3A_165 = arith.constant 0 : i32
    %dma_wait3A_166 = tpu.memref_slice %arg6[%dma_wait3A_165] : memref<64004096xf32, #tpu.memory_space<hbm>> -> memref<4096xf32, #tpu.memory_space<hbm>>
    tpu.wait_dma2 semaphore(%arg30 : memref<!tpu.dma_semaphore, #tpu.memory_space<semaphore_mem>>) src(%dma_wait3A_166 : memref<4096xf32, #tpu.memory_space<hbm>>) dst(%arg16 : memref<4096xf32, #tpu.memory_space<vmem>>)
    return
  }
}

</mosaic_0001>

<sc_bundles>
// kernel: kernel.3.cloned.1.call-start
scs
__scs_entry_jumppad:
0x0: {  	(pc) =	sbr.rel $0x88, $3  }
0x1: {  	(tag) =	ssettag $0x0;
	lr =	simm.s32 $0x1  }
0x2: {  	[smem:$0x3F9F] =	sst lr;
	_ =	strace $0xD0000000  }
0x3: {  	_ = 	snop  }
0x4: {  	_ = 	snop  }
0x5: {  	_ = 	snop  }
0x6: {  	_ = 	snop  }
0x7: {  	_ = 	snop  }
__scs_overlays_trampoline_lowered:
0x8: {  	[smem:$0x3FAE] =	sst s0  }
0x9: {  	[smem:$0x3FAF] =	sst s1  }
0xa: {  	[smem:$0x3FB0] =	sst s2  }
0xb: {  	[smem:$0x3FB1] =	sst s3  }
0xc: {  	[smem:$0x3FB2] =	sst s4  }
0xd: {  	[smem:$0x3FB3] =	sst s5  }
0xe: {  	[smem:$0x3FB4] =	sst s6  }
0xf: {  	[smem:$0x3FB5] =	sst s7  }
0x10: {  	[smem:$0x3FB6] =	sst s8  }
0x11: {  	[smem:$0x3FB7] =	sst s9;
	s0 =	simm.s32 @!p0 $0x0  }
0x12: {  	s1 =	sld [smem:$0x3F9D];
	s0 =	simm.s32 @p0 $0x1  }
0x13: {  	[smem:$0x3FB8] =	sst s0;
	s0 =	simm.s32 @!p1 $0x0  }
0x14: {  	s2 =	sld [smem:$0x3F9C];
	s0 =	simm.s32 @p1 $0x1  }
0x15: {  	[smem:$0x3FB9] =	sst s0;
	s0 =	simm.s32 @!p2 $0x0  }
0x16: {  	s3 =	sld [smem:$0x3FDB];
	s0 =	simm.s32 @p2 $0x1  }
0x17: {  	s4 =	simm.s32 $0x1BF5;
	[smem:$0x3FBB] =	sst s0  }
0x18: {  	s0 =	sld [smem:$0x3F9E];
	_ =	swait.ge [sflag:s4], $0x0  }
0x19: {  	s7 =	sld [smem:$0x3F9F]  }
0x1a: {  	s8 =	sadd.s32 $0xFFFFE003, lr  }
0x1b: {  	s9 =	sadd.s32 $0xFFFFFEF7, lr;
	s5 =	simm.s32 $0xFFFFFFFF;
	p2 =	slt.u32 s8, $0xFFFFF086  }
0x1c: {  	p1 =	slt.u32 s9, $0xF7A;
	s5 =	simm.s32 @!p2 $0x0  }
0x1d: {  	s5 =	simm.s32 @p1 $0x1;
	p0 =	seq.s32 s7, s2  }
0x1e: {  	s7 =	smul.u32 @!p0 $0xF7A, s2;
	p2 =	seq.s32 @!p0 s5, $0x0  }
0x1f: {  	s9 =	smul.u32 $0xF7A, s1;
	s8 =	simm.s32 @!p0 $0x1BF5;
	p2 =	por !p2, p0  }
0x20: {  	[sflag:s8] =	ssyncset.s32 @!p0 $0xFFFFF086;
	s6 =	sadd.s32 @!p0 s3, s7;
	s7 =	simm.s32 @!p0 $0x108  }
0x21: {  	s3 =	sadd.s32 s3, s9;
	s6 =	sadd.s32 @!p0 $0x88, s6;
	s7 =	simm.s32 @p2 $0x1082  }
0x22: {  	[simem:s7], [sflag:s8] =	dma.local @!p0 [hbm:s6], $0xF7A  }
0x23: {  	s9 =	sor.u32 $0xD0000000, s2;
	s6 =	simm.s32 $0x108;
	_ =	swait.ge @!p0 [sflag:s8], $0x0  }
0x24: {  	s3 =	sadd.s32 $0x88, s3;
	s6 =	simm.s32 @!p1 $0x1082;
	[sflag:s4] =	ssyncset.s32 $0xFFFFF086  }
0x25: {  	[simem:s6], [sflag:s4] =	dma.local [hbm:s3], $0xF7A  }
0x26: {  	[smem:$0x3F9F] =	sst s1;
	(tag) =	ssettag s2;
	_ =	strace s9  }
0x27: {  	s1 =	sld [smem:$0x3FAF]  }
0x28: {  	s2 =	sld [smem:$0x3FB0]  }
0x29: {  	s4 =	sld [smem:$0x3FB2]  }
0x2a: {  	p0 =	seq.s32 s5, $0x0;
	s5 =	sld [smem:$0x3FB3]  }
0x2b: {  	s6 =	sld [smem:$0x3FB4]  }
0x2c: {  	s7 =	sld [smem:$0x3FB5]  }
0x2d: {  	s3 =	simm.s32 $0x108;
	s8 =	sld [smem:$0x3FB6]  }
0x2e: {  	s3 =	simm.s32 @!p0 $0x1082;
	s9 =	sld [smem:$0x3FB7]  }
0x2f: {  	lr =	sadd.s32 s0, s3;
	s0 =	sld [smem:$0x3FAE]  }
0x30: {  	s3 =	sld [smem:$0x3FB1]  }
0x31: {  	[smem:$0x3FBA] =	sst s10  }
0x32: {  	s10 =	sld [smem:$0x3FB8];
	_ =	sdelay $0x3  }
0x33: {  	p0 =	seq.s32 s10, $0x1;
	s10 =	sld [smem:$0x3FBA];
	_ =	sdelay $0x3  }
0x34: {  	[smem:$0x3FBA] =	sst s10  }
0x35: {  	s10 =	sld [smem:$0x3FB9];
	_ =	sdelay $0x3  }
0x36: {  	p1 =	seq.s32 s10, $0x1;
	s10 =	sld [smem:$0x3FBA];
	_ =	sdelay $0x3  }
0x37: {  	[smem:$0x3FBA] =	sst s10  }
0x38: {  	s10 =	sld [smem:$0x3FBB]  }
0x39: {  	_ = 	snop;
	(pc) =	sbr.ind lr, $3  }
0x3a: {  	_ = 	snop  }
0x3b: {  	_ = 	snop  }
0x3c: {  	p2 =	seq.s32 s10, $0x1;
	s10 =	sld [smem:$0x3FBA]  }
0x3d: {  	_ =	shalt  }
0x3e: {  	_ =	shalt  }
0x3f: {  	_ =	shalt  }
0x40: {  	_ =	shalt  }
0x41: {  	_ =	shalt  }
0x42: {  	_ =	shalt  }
0x43: {  	_ =	shalt  }
0x44: {  	_ =	shalt  }
0x45: {  	_ =	shalt  }
0x46: {  	_ =	shalt  }
0x47: {  	_ =	shalt  }
0x48: {  	_ =	shalt  }
0x49: {  	_ =	shalt  }
0x4a: {  	_ =	shalt  }
0x4b: {  	_ =	shalt  }
0x4c: {  	_ =	shalt  }
0x4d: {  	_ =	shalt  }
0x4e: {  	_ =	shalt  }
0x4f: {  	_ =	shalt  }
0x50: {  	_ =	shalt  }
0x51: {  	_ =	shalt  }
0x52: {  	_ =	shalt  }
0x53: {  	_ =	shalt  }
0x54: {  	_ =	shalt  }
0x55: {  	_ =	shalt  }
0x56: {  	_ =	shalt  }
0x57: {  	_ =	shalt  }
0x58: {  	_ =	shalt  }
0x59: {  	_ =	shalt  }
0x5a: {  	_ =	shalt  }
0x5b: {  	_ =	shalt  }
0x5c: {  	_ =	shalt  }
0x5d: {  	_ =	shalt  }
0x5e: {  	_ =	shalt  }
0x5f: {  	_ =	shalt  }
0x60: {  	_ =	shalt  }
0x61: {  	_ =	shalt  }
0x62: {  	_ =	shalt  }
0x63: {  	_ =	shalt  }
0x64: {  	_ =	shalt  }
0x65: {  	_ =	shalt  }
0x66: {  	_ =	shalt  }
0x67: {  	_ =	shalt  }
0x68: {  	_ =	shalt  }
0x69: {  	_ =	shalt  }
0x6a: {  	_ =	shalt  }
0x6b: {  	_ =	shalt  }
0x6c: {  	_ =	shalt  }
0x6d: {  	_ =	shalt  }
0x6e: {  	_ =	shalt  }
0x6f: {  	_ =	shalt  }
0x70: {  	_ =	shalt  }
0x71: {  	_ =	shalt  }
0x72: {  	_ =	shalt  }
0x73: {  	_ =	shalt  }
0x74: {  	_ =	shalt  }
0x75: {  	_ =	shalt  }
0x76: {  	_ =	shalt  }
0x77: {  	_ =	shalt  }
0x78: {  	_ =	shalt  }
0x79: {  	_ =	shalt  }
0x7a: {  	_ =	shalt  }
0x7b: {  	_ =	shalt  }
0x7c: {  	_ =	shalt  }
0x7d: {  	_ =	shalt  }
0x7e: {  	_ =	shalt  }
0x7f: {  	_ =	shalt  }
0x80: {  	_ =	shalt  }
0x81: {  	_ =	shalt  }
0x82: {  	_ =	shalt  }
0x83: {  	_ =	shalt  }
0x84: {  	_ =	shalt  }
0x85: {  	_ =	shalt  }
0x86: {  	_ =	shalt  }
0x87: {  	_ =	shalt  }
.Lfunc_end0:
.L_simem_size_0:
called_computation_lowered:
.L_overlay_start_0:
0x88: {  	s2 =	sld [smem:$0x3FD9]  }
0x89: {  	s3 =	sld [smem:$0x3FFE];
	_ =	sdelay $0x1  }
0x8a: {  	s1 =	srdreg.scid  }
0x8b: {  	s0 =	sand.u32 $0x1, s1  }
0x8c: {  	s17 =	sshll.u32 s0, $0xA;
	s2 =	sadd.s32 s3, s2  }
0x8d: {  	s2 =	sadd.s32 s2, s17  }
0x8e: {  	[smem:$0x3FC6] =	sst s2  }
0x8f: {  	_ = 	snop  }
0x90: {  	s2 =	sld [smem:$0x3FC9]  }
0x91: {  	s18 =	sld [smem:$0x3FC8]  }
0x92: {  	s4 =	sld [smem:$0x3FD0];
	(tm) =	ssettm $0x1  }
0x93: {  	s5 =	sld [smem:$0x3FFB];
	_ =	sdelay $0x3  }
0x94: {  	_ =	strace s5  }
0x95: {  	s5 =	sld [smem:$0x3FFC];
	_ =	sdelay $0x3  }
0x96: {  	_ =	strace s5  }
0x97: {  	s5 =	sld [smem:$0x3FFD];
	_ =	sdelay $0x3  }
0x98: {  	_ =	strace s5  }
0x99: {  	_ =	strace $0x8FFFFFFF  }
0x9a: {  	s19 =	sld [smem:$0x3FDB];
	_ =	sdelay $0x1  }
0x9b: {  	s6 =	simm.s32 $_scs_section_size  }
0x9c: {  	s7 =	simm.s32 $_size__tile_overlayer_lowered;
	s8 =	simm.s32 $_tile_overlayer_lowered  }
0x9d: {  	s22 =	simm.s32 $0x1BFF;
	s21 =	sshll.u32 s8, $0x1;
	s5 =	sadd.s32 s6, s19  }
0x9e: {  	s9 =	simm.s32 $0x0;
	s20 =	sshll.u32 s7, $0x1;
	s7 =	sadd.s32 s21, s5  }
0x9f: {  	[timem:s9], [sflag:s22] =	dma.local [hbm:s7], s20  }
0xa0: {  	_ =	swait.ge [sflag:s22], s20  }
0xa1: {  	s6 =	ssub.s32 $0x0, s20;
	[sflag:s22] =	ssyncset.done $0x0  }
0xa2: {  	[sflag:s22] =	ssyncadd.s32 s6;
	_ =	sdelay $0x1  }
0xa3: {  	s23 =	simm.s32 $0x1B8B  }
0xa4: {  	_ =	swait.ge [sflag:s23], $0x1  }
0xa5: {  	[sflag:s23] =	ssyncset.done $0x0  }
0xa6: {  	s25 =	simm.s32 $0x1B8E;
	s24 =	sld [smem:$0x3FFE];
	[sflag:s23] =	ssyncadd.s32 $0xFFFFFFFF  }
0xa7: {  	s26 =	simm.s32 $execute0_lowered;
	[smem:$0x3FD2] =	sst s25  }
0xa8: {  	s7 =	sshll.u32 s26, $0x1;
	_ =	strace $0x80000046;
	[dreg:$0x1] =	wrdreg $0xFFFFFFFF  }
0xa9: {  	s28 =	simm.s32 $_size_execute0_lowered;
	s5 =	sadd.s32 s5, s7;
	[dreg:$0x0] =	wrdreg $0x0  }
0xaa: {  	s7 =	sshll.u32 s28, $0x1;
	[dreg:$0x2] =	wrdreg s5  }
0xab: {  	[dreg:$0x3] =	wrdreg s7  }
0xac: {  	[dreg:$0x4] =	wrdreg $0xC0  }
0xad: {  	_ =	task [dreg:s9], $0x5FFFF  }
0xae: {  	[dreg:$0x1] =	wrdreg $0xFFFFFFFF  }
0xaf: {  	[dreg:$0x0] =	wrdreg $0x60  }
0xb0: {  	[dreg:$0x2] =	wrdreg s18  }
0xb1: {  	[dreg:$0x3] =	wrdreg s24  }
0xb2: {  	[dreg:$0x4] =	wrdreg s2  }
0xb3: {  	[dreg:$0x5] =	wrdreg s4  }
0xb4: {  	[dreg:$0x6] =	wrdreg $0x9  }
0xb5: {  	_ =	task.clear_ibuf [dreg:s9], $0x7FFFF;
	_ =	strace $0x90000046  }
0xb6: {  	s29 =	simm.s32 $0x9;
	_ =	strace $0x80000048  }
0xb7: {  	_ =	swait.ge [sflag:s29], $0x1  }
0xb8: {  	[sflag:s29] =	ssyncadd.s32 $0xFFFFFFFF  }
0xb9: {  	_ =	strace $0x90000048  }
0xba: {  	_ =	sfence  }
0xbb: {  	s30 =	sld [smem:$0x0];
	_ =	sdelay $0x2  }
0xbc: {  	s31 =	sshll.u32 s1, $0xD;
	s1 =	sshrl.u32 s1, $0x2  }
0xbd: {  	s3 =	sand.u32 $0x4000, s31;
	s1 =	sadd.s32 s1, s30  }
0xbe: {  	s0 =	sor.u32 s3, s0;
	s1 =	sshll.u32 s1, $0x11  }
0xbf: {  	s0 =	sor.u32 s1, s0  }
0xc0: {  	s0 =	sadd.s32 $0x8F2B, s0  }
0xc1: {  	[sflag:s0] =	ssyncadd.remote.s32 $0x1  }
0xc2: {  	_ =	sfence.sel $0xFFFF  }
0xc3: {  	[dreg:$0x0] =	wrdreg $0xFFFFFFFF;
	(pc) =	sbr.abs _section_cstart, $3  }
0xc4: {  	[dreg:$0x1] =	wrdreg $0xFFFFFFFF  }
0xc5: {  	_ =	task.clear_ibuf [dreg:s9], $0x2FFFF;
	_ =	strace $0x9FFFFFFF  }
0xc6: {  	(tm) =	ssettm $0x7FFFFFFF  }
0xc7: {  	_ =	shalt  }
tec
execute0_lowered:
.L_overlay_start_1:
0x0: {  	(tag) =	ssettag $0x1  }
0x1: {  	s0 =	rddreg [dreg:$0x0]  }
0x2: {  	s1 =	rddreg [dreg:$0x1]  }
0x3: {  	s2 =	rddreg [dreg:$0x2]  }
0x4: {  	s3 =	srdreg.scid;
	s15 =	stileid.u32  }
0x5: {  	s4 =	simm.s32 $0x0;
	s29 =	simm.s32 $0x80;
	s30 =	simm.s32 $0x400  }
0x6: {  	s31 =	simm.s32 $0x3F00;
	s28 =	simm.s32 $0x4;
	s3 =	sand.u32 $0x1, s3  }
0x7: {  	s5 =	sshll.u32 s15, $0x1;
	s7 =	sshrl.u32 s15, $0x1;
	[smem:$0x7FF] =	sst s4  }
0x8: {  	s12 =	sadd.s32 $0x800, s1;
	s25 =	smul.u32 $0x3D0A00, s15;
	s6 =	sor.u32 s3, s5  }
0x9: {  	s8 =	smul.u32 $0x7A1400, s7;
	_ =	strace $0x80000047;
	s9 =	ssub.s32 $0x2, s3  }
0xa: {  	s14 =	sshll.u32 s7, $0xA;
	s7 =	sshll.u32 s7, $0xF;
	s5 =	sshll.u32 s6, $0x8  }
0xb: {  	s26 =	smul.u32 $0x1E8500, s3;
	s11 =	sshrl.u32 s9, $0x1;
	s10 =	sand.u32 $0x300, s5  }
0xc: {  	s5 =	sadd.s32 $0xC00, s1;
	s1 =	ssub.s32 s9, s11;
	s13 =	sor.u32 s8, s10  }
0xd: {  	s18 =	sor.u32 s14, s10;
	s22 =	sor.u32 s7, s10;
	s10 =	sadd.s32 $0x10, s2  }
0xe: {  	[dreg:$0x15] =	wrdreg s5;
	s11 =	sshrl.u32 s13, $0x3;
	s13 =	smul.u32 $0x1E8500, s6  }
0xf: {  	s1 =	smax.u32 s1, $0x1;
	s6 =	sshllo.u32 s6, $0x1;
	[dreg:$0xd] =	wrdreg s10  }
0x10: {  	[dreg:$0x10] =	wrdreg s1;
	s17 =	sadd.s32 s0, s11;
	s11 =	sshrl.u32 s18, $0x3  }
0x11: {  	s19 =	sshll.u32 s6, $0x7;
	s16 =	sadd.s32 $0x3F00, s17;
	[dreg:$0x5] =	wrdreg s17  }
0x12: {  	s21 =	smul.u32 $0xF4280, s6;
	s11 =	sadd.s32 s12, s11;
	[dreg:$0x6] =	wrdreg s16  }
0x13: {  	s9 =	sshrl.u32 s13, $0x3;
	s13 =	sshrl.u32 s22, $0x3;
	[dreg:$0x7] =	wrdreg s11  }
0x14: {  	s9 =	sadd.s32 s5, s9;
	s16 =	sand.u32 $0x380, s19;
	[dreg:$0x9] =	wrdreg s21  }
0x15: {  	s24 =	sshrl.u32 s21, $0x3;
	s11 =	sadd.s32 $0x20, s2;
	s20 =	sadd.s32 $0x1E840, s9  }
0x16: {  	s8 =	sor.u32 s8, s16;
	s23 =	sor.u32 s14, s16;
	[dreg:$0xe] =	wrdreg s11  }
0x17: {  	s18 =	sadd.s32 $0x1D880, s9;
	[dreg:$0x8] =	wrdreg s20;
	s8 =	sshrl.u32 s8, $0x3  }
0x18: {  	s15 =	sadd.s32 s5, s24;
	[dreg:$0x11] =	wrdreg s18;
	s0 =	sadd.s32 s0, s8  }
0x19: {  	s6 =	sadd.s32 $0x1E840, s15;
	[dreg:$0xa] =	wrdreg s0;
	s0 =	sshrl.u32 s23, $0x3  }
0x1a: {  	s14 =	sor.u32 s7, s16;
	[dreg:$0xc] =	wrdreg s6;
	s0 =	sadd.s32 s12, s0  }
0x1b: {  	s7 =	simm.s32 $0x2;
	s12 =	sadd.s32 $0x30, s2;
	[dreg:$0xb] =	wrdreg s0  }
0x1c: {  	s11 =	simm.s32 $0xCE00;
	s20 =	sshrl.u32 s14, $0x3;
	[dreg:$0xf] =	wrdreg s12  }
0x1d: {  	s0 =	sadd.s32 s26, s25;
	s25 =	sadd.s32 $0x1E060, s9;
	s26 =	sadd.s32 $0xBD00, s17  }
0x1e: {  	s12 =	simm.s32 $0x3;
	s16 =	sadd.s32 $0x3F00, s0;
	s19 =	sadd.s32 $0xF4280, s0  }
.Ltmp0:
0x1f: {  	s0 =	sshrl.u32 s0, $0x3;
	[dreg:$0x13] =	wrdreg s25;
	(pc) =	sbr.rel .LBB2_1-.Ltmp0, $4  }
0x20: {  	[dreg:$0x14] =	wrdreg s26;
	s25 =	simm.s32 $0xE;
	s1 =	sshrl.u32 s16, $0x3  }
0x21: {  	s21 =	sshrl.u32 s19, $0x3;
	s24 =	sadd.s32 s0, s5;
	s0 =	simm.s32 $0x1  }
0x22: {  	s23 =	sadd.s32 s1, s5;
	s22 =	sadd.s32 s21, s5;
	s1 =	simm.s32 $0xF  }
0x23: {  	s5 =	simm.s32 $0x0;
	[dreg:$0x12] =	wrdreg s22;
	s22 =	simm.s32 $0xA  }
.LBB2_21:
0x24: {  	s3 =	simm.s32 $0xB  }
0x25: {  	_ =	swait.ge [sflag:s3], $0x1000  }
0x26: {  	[sflag:s3] =	ssyncset.done $0x0  }
0x27: {  	s19 =	simm.s32 $0xC;
	[sflag:s3] =	ssyncadd.s32 $0xFFFFF000  }
0x28: {  	_ =	swait.ge [sflag:s19], $0x1000  }
0x29: {  	[sflag:s19] =	ssyncset.done $0x0  }
0x2a: {  	s21 =	simm.s32 $0xD;
	[sflag:s19] =	ssyncadd.s32 $0xFFFFF000  }
0x2b: {  	_ =	swait.ge [sflag:s21], $0x1000  }
0x2c: {  	[sflag:s21] =	ssyncset.done $0x0  }
0x2d: {  	[sflag:s21] =	ssyncadd.s32 $0xFFFFF000  }
0x2e: {  	_ =	swait.ge [sflag:s25], $0x1000  }
0x2f: {  	s5 =	rddreg [dreg:$0x16]  }
0x30: {  	s26 =	rddreg [dreg:$0x10];
	s5 =	sadd.s32 $0x1, s5  }
0x31: {  	p0 =	sne.s32 s5, s26  }
.Ltmp1:
0x32: {  	_ = 	snop;
	(pc) =	sbr.rel @!p0 .LBB2_22-.Ltmp1, $3  }
0x33: {  	_ =	sdelay $0x1  }
0x34: {  	[sflag:s25] =	ssyncset.done $0x0  }
0x35: {  	[sflag:s25] =	ssyncadd.s32 $0xFFFFF000  }
.LBB2_1:
0x36: {  	[dreg:$0x16] =	wrdreg s5  }
0x37: {  	s3 =	rddreg [dreg:$0x5]  }
0x38: {  	[tilespmem:s4], [sflag:$0x1] =	stream.strided.gather [hbm4b:s3+s29], $0x3F00, s30, s29, $0x38;
	[tilespmem:$0xFE00] =	vst v63  }
0x39: {  	s18 =	rddreg [dreg:$0x6]  }
0x3a: {  	[tilespmem:s31], [sflag:$0x2] =	stream.strided.gather [hbm4b:s18+s29], $0x3F00, s30, s29, $0x38;
	[tilespmem:$0xFE00] =	vst v63  }
0x3b: {  	_ =	swait.ge [sflag:s0], $0x3F00  }
0x3c: {  	[sflag:s0] =	ssyncset.done $0x0  }
0x3d: {  	s19 =	sadd.s32 $0x0, s24;
	[sflag:s0] =	ssyncadd.s32 $0xFFFFC100  }
0x3e: {  	[hbm4b:s19+s4] =	stream.linear.scatter [tilespmem:s4], [sflag:$0xF], $0x3F00, $0x38;
	[tilespmem:$0xFE00] =	vst v63  }
0x3f: {  	_ =	swait.ge [sflag:s1], $0x3F00  }
0x40: {  	[sflag:s1] =	ssyncset.done $0x0;
	s10 =	rddreg [dreg:$0x14]  }
0x41: {  	[sflag:s1] =	ssyncadd.s32 $0xFFFFC100;
	s21 =	sadd.s32 $0xFFFFC100, s10  }
0x42: {  	[tilespmem:s4], [sflag:$0x1] =	stream.strided.gather [hbm4b:s21+s29], $0x3F00, s30, s29, $0x38;
	[tilespmem:$0xFE00] =	vst v63  }
0x43: {  	_ =	swait.ge [sflag:s7], $0x3F00  }
0x44: {  	[sflag:s7] =	ssyncset.done $0x0  }
0x45: {  	s26 =	sadd.s32 $0x0, s23;
	[sflag:s7] =	ssyncadd.s32 $0xFFFFC100  }
0x46: {  	[hbm4b:s26+s4] =	stream.linear.scatter [tilespmem:s31], [sflag:$0xF], $0x3F00, $0x38;
	[tilespmem:$0xFE00] =	vst v63  }
0x47: {  	_ =	swait.ge [sflag:s1], $0x3F00  }
0x48: {  	[sflag:s1] =	ssyncset.done $0x0  }
0x49: {  	s3 =	simm.s32 $0xFC0;
	s8 =	sadd.s32 $0x7E00, s10;
	[sflag:s1] =	ssyncadd.s32 $0xFFFFC100  }
.LBB2_2:
0x4a: {  	[tilespmem:s31], [sflag:$0x2] =	stream.strided.gather [hbm4b:s10+s29], $0x3F00, s30, s29, $0x38;
	[tilespmem:$0xFE00] =	vst v63  }
0x4b: {  	s6 =	smov.u32 s3;
	s10 =	smov.u32 s8  }
0x4c: {  	p0 =	sne.s32 s3, $0x1C8C0;
	s3 =	sadd.s32 $0xFC0, s3;
	_ =	swait.ge [sflag:s0], $0x3F00  }
0x4d: {  	[sflag:s0] =	ssyncset.done $0x0  }
0x4e: {  	s14 =	sadd.s32 s6, s24;
	[sflag:s0] =	ssyncadd.s32 $0xFFFFC100  }
0x4f: {  	[hbm4b:s14+s4] =	stream.linear.scatter [tilespmem:s4], [sflag:$0xF], $0x3F00, $0x38;
	[tilespmem:$0xFE00] =	vst v63  }
0x50: {  	_ =	swait.ge [sflag:s1], $0x3F00  }
0x51: {  	[sflag:s1] =	ssyncset.done $0x0  }
0x52: {  	s14 =	sadd.s32 $0xFFFFC100, s8;
	[sflag:s1] =	ssyncadd.s32 $0xFFFFC100  }
0x53: {  	[tilespmem:s4], [sflag:$0x1] =	stream.strided.gather [hbm4b:s14+s29], $0x3F00, s30, s29, $0x38;
	[tilespmem:$0xFE00] =	vst v63  }
0x54: {  	_ =	swait.ge [sflag:s7], $0x3F00  }
0x55: {  	[sflag:s7] =	ssyncset.done $0x0  }
.Ltmp2:
0x56: {  	s6 =	sadd.s32 s6, s23;
	[sflag:s7] =	ssyncadd.s32 $0xFFFFC100;
	(pc) =	sbr.rel @p0 .LBB2_2-.Ltmp2, $4  }
0x57: {  	[hbm4b:s6+s4] =	stream.linear.scatter [tilespmem:s31], [sflag:$0xF], $0x3F00, $0x38;
	[tilespmem:$0xFE00] =	vst v63  }
0x58: {  	_ =	swait.ge [sflag:s1], $0x3F00  }
0x59: {  	[sflag:s1] =	ssyncset.done $0x0  }
0x5a: {  	s8 =	sadd.s32 $0x7E00, s8;
	[sflag:s1] =	ssyncadd.s32 $0xFFFFC100  }
0x5b: {  	[tilespmem:s31], [sflag:$0x2] =	stream.strided.gather [hbm4b:s10+s29], $0x3F00, s30, s29, $0x38;
	[tilespmem:$0xFE00] =	vst v63  }
0x5c: {  	s3 =	simm.s32 $0x1  }
0x5d: {  	_ =	swait.ge [sflag:s3], $0x3F00  }
0x5e: {  	[sflag:s3] =	ssyncset.done $0x0  }
0x5f: {  	s8 =	simm.s32 $0x0;
	s5 =	rddreg [dreg:$0x11];
	[sflag:s3] =	ssyncadd.s32 $0xFFFFC100  }
0x60: {  	[hbm4b:s5+s8] =	stream.linear.scatter [tilespmem:s8], [sflag:$0xF], $0x3F00, $0x38;
	[tilespmem:$0xFE00] =	vst v63  }
0x61: {  	_ =	swait.ge [sflag:s1], $0x3F00  }
0x62: {  	[sflag:s1] =	ssyncset.done $0x0  }
0x63: {  	[sflag:s1] =	ssyncadd.s32 $0xFFFFC100  }
0x64: {  	_ =	swait.ge [sflag:s7], $0x3F00  }
0x65: {  	[sflag:s7] =	ssyncset.done $0x0  }
0x66: {  	s17 =	rddreg [dreg:$0x13];
	[sflag:s7] =	ssyncadd.s32 $0xFFFFC100  }
0x67: {  	[hbm4b:s17+s8] =	stream.linear.scatter [tilespmem:s31], [sflag:$0xF], $0x3F00, $0x38;
	[tilespmem:$0xFE00] =	vst v63  }
0x68: {  	_ =	swait.ge [sflag:s1], $0x3F00  }
0x69: {  	[sflag:s1] =	ssyncset.done $0x0  }
0x6a: {  	s18 =	rddreg [dreg:$0x7];
	[sflag:s1] =	ssyncadd.s32 $0xFFFFC100  }
0x6b: {  	[tilespmem:s8], [sflag:$0xF] =	stream.linear.gather [hbm4b:s18+s8], $0x80, $0x38;
	[tilespmem:$0xFE00] =	vst v63  }
0x6c: {  	_ =	swait.ge [sflag:s1], $0x80  }
0x6d: {  	[sflag:s1] =	ssyncset.done $0x0  }
0x6e: {  	s19 =	rddreg [dreg:$0x8];
	[sflag:s1] =	ssyncadd.s32 $0xFFFFFF80  }
0x6f: {  	[hbm4b:s19+s8] =	stream.linear.scatter [tilespmem:s8], [sflag:$0xF], $0x80, $0x38;
	[tilespmem:$0xFE00] =	vst v63  }
0x70: {  	_ =	swait.ge [sflag:s1], $0x80  }
0x71: {  	[sflag:s1] =	ssyncset.done $0x0  }
0x72: {  	s21 =	rddreg [dreg:$0xa];
	[sflag:s1] =	ssyncadd.s32 $0xFFFFFF80  }
0x73: {  	[tilespmem:s8], [sflag:$0x1] =	stream.strided.gather [hbm4b:s21+s29], $0x3F00, s30, s29, $0x38;
	[tilespmem:$0xFE00] =	vst v63  }
.Ltmp3:
0x74: {  	s26 =	simm.s32 $0x7E00;
	s16 =	simm.s32 $0x0;
	(pc) =	sbr.rel .LBB2_4-.Ltmp3, $4  }
0x75: {  	s17 =	simm.s32 $0xFFFC0000;
	s18 =	rddreg [dreg:$0x12];
	s6 =	sadd.s32 $0x3F00, s21  }
0x76: {  	[tilespmem:s31], [sflag:$0x2] =	stream.strided.gather [hbm4b:s6+s29], $0x3F00, s30, s29, $0x38;
	[tilespmem:$0xFE00] =	vst v63  }
0x77: {  	s10 =	sadd.s32 $0xBD00, s21;
	s21 =	simm.s32 $0x20;
	s14 =	rddreg [dreg:$0x3]  }
0x78: {  	[tilespmem:s26], [sflag:$0x7] =	stream.strided.gather [hbm4b:s2+s29], $0x1000, s30, s29, $0x38;
	[tilespmem:$0xFE00] =	vst v63  }
.LBB2_7:
0x79: {  	s6 =	sand.u32 $0x7000, s8;
	s19 =	sadd.s32 $0xFFFFFFF0, s21  }
0x7a: {  	s5 =	simm.s32 $0x8E00;
	s19 =	sand.u32 $0x70, s19;
	s6 =	sadd.s32 s2, s6  }
0x7b: {  	p0 =	por $0x1, $0x1;
	s6 =	sadd.s32 s19, s6;
	s19 =	smov.u32 s3  }
0x7c: {  	[tilespmem:s5], [sflag:$0x8] =	stream.strided.gather [hbm4b:s6+s29], $0x1000, s30, s29, $0x38;
	[tilespmem:$0xFE00] =	vst v63  }
.LBB2_14:
0x7d: {  	s6 =	smul.u32 $0x3F00, s19;
	_ =	swait.ge [sflag:s7], $0x3F00  }
0x7e: {  	s5 =	rddreg [dreg:$0x9]  }
0x7f: {  	s6 =	sadd.s32 s5, s6  }
0x80: {  	[sflag:s7] =	ssyncset.done $0x0;
	s26 =	rddreg [dreg:$0x15];
	s6 =	sshrl.u32 s6, $0x3  }
0x81: {  	[sflag:s7] =	ssyncadd.s32 $0xFFFFC100;
	s6 =	sadd.s32 s26, s6  }
0x82: {  	[hbm4b:s6+s4] =	stream.linear.scatter [tilespmem:s31], [sflag:$0xF], $0x3F00, $0x38;
	[tilespmem:$0xFE00] =	vst v63  }
0x83: {  	_ =	swait.ge [sflag:s1], $0x3F00  }
0x84: {  	s5 =	simm.s32 @!p1 $0x3F00;
	[sflag:s1] =	ssyncset.done $0x0  }
0x85: {  	s26 =	simm.s32 @!p1 $0x400;
	s6 =	simm.s32 @!p1 $0x80;
	[sflag:s1] =	ssyncadd.s32 $0xFFFFC100  }
0x86: {  	[tilespmem:s5], [sflag:$0x2] =	stream.strided.gather @!p1 [hbm4b:s10+s6], $0x3F00, s26, s6, $0x38;
	[tilespmem:$0xFE00] =	vst v63  }
0x87: {  	s5 =	simm.s32 @p0 $0x8  }
0x88: {  	s26 =	sadd.s32 $0xFFFFFFFF, s16;
	_ =	swait.ge @p0 [sflag:s5], $0x1000  }
0x89: {  	p1 =	sgt.u32 s26, $0x17;
	[sflag:s5] =	ssyncset.done @p0 $0x0  }
0x8a: {  	[sflag:s5] =	ssyncadd.s32 @p0 $0xFFFFF000;
	s5 =	simm.s32 @!p1 $0xC  }
0x8b: {  	_ =	swait.ge @!p1 [sflag:s5], $0x1000  }
0x8c: {  	s6 =	simm.s32 @p0 $0x8E00;
	[sflag:s5] =	ssyncset.done @!p1 $0x0  }
0x8d: {  	s26 =	simm.s32 @p0 $0xCE00;
	[sflag:s5] =	ssyncadd.s32 @!p1 $0xFFFFF000;
	s5 =	simm.s32 @p0 $0x1000  }
0x8e: {  	[tilespmem:s26], [sflag:$0x4] =	stream.indirect.gather @p0 [hbm4b:s9+s5], $0x1, s6, s5, $0xb8;
	[tilespmem:$0xFE00] =	vst v63  }
0x8f: {  	p0 =	sgt.u32 s19, $0x32  }
0x90: {  	s5 =	simm.s32 @!p0 $0x3  }
0x91: {  	_ =	swait.ge @!p0 [sflag:s5], $0x1000  }
0x92: {  	s6 =	simm.s32 @!p0 $0x80;
	s19 =	simm.s32 @!p0 $0x400;
	[sflag:s5] =	ssyncset.done @!p0 $0x0  }
0x93: {  	s26 =	simm.s32 @!p0 $0xBE00;
	[sflag:s5] =	ssyncadd.s32 @!p0 $0xFFFFF000;
	s5 =	sadd.s32 @!p0 s13, s14  }
0x94: {  	[hbm4b:s5+s6] =	stream.strided.scatter @!p0 [tilespmem:s26], [sflag:$0xB], $0x1000, s19, s6, $0x38;
	[tilespmem:$0xFE00] =	vst v63  }
0x95: {  	p0 =	sgt.u32 s16, $0x17  }
0x96: {  	s16 =	sadd.s32 $0x1, s16;
	s5 =	sadd.s32 @!p0 $0x400, s8;
	s6 =	sand.u32 @!p0 $0x60, s21  }
0x97: {  	s19 =	simm.s32 @!p0 $0x400;
	s5 =	sand.u32 @!p0 $0xF000, s5;
	s6 =	sadd.s32 @!p0 s2, s6  }
0x98: {  	s26 =	simm.s32 @!p0 $0x7E00;
	s5 =	sadd.s32 @!p0 s5, s6;
	s6 =	simm.s32 @!p0 $0x80  }
0x99: {  	[tilespmem:s26], [sflag:$0x7] =	stream.strided.gather @!p0 [hbm4b:s5+s6], $0x1000, s19, s6, $0x38;
	[tilespmem:$0xFE00] =	vst v63  }
0x9a: {  	p0 =	sne.s32 s16, $0x1F  }
.Ltmp4:
0x9b: {  	_ = 	snop;
	(pc) =	sbr.rel @!p0 .LBB2_15-.Ltmp4, $4  }
0x9c: {  	_ = 	snop  }
0x9d: {  	s17 =	sadd.s32 $0x80000, s17  }
0x9e: {  	s18 =	sadd.s32 $0xFC0, s18;
	s3 =	sadd.s32 $0x2, s3;
	s10 =	sadd.s32 $0x7E00, s10  }
0x9f: {  	s14 =	sadd.s32 $0x10000, s14;
	s8 =	sadd.s32 $0x400, s8;
	s21 =	sadd.s32 $0x20, s21  }
.LBB2_4:
0xa0: {  	_ =	swait.ge [sflag:s0], $0x3F00  }
0xa1: {  	p1 =	seq.s32 s16, $0x1E;
	[sflag:s0] =	ssyncset.done $0x0  }
.Ltmp5:
0xa2: {  	[sflag:s0] =	ssyncadd.s32 $0xFFFFC100;
	(pc) =	sbr.rel @p1 .LBB2_14-.Ltmp5, $4  }
0xa3: {  	[hbm4b:s18+s4] =	stream.linear.scatter [tilespmem:s4], [sflag:$0xF], $0x3F00, $0x38;
	[tilespmem:$0xFE00] =	vst v63  }
0xa4: {  	_ =	swait.ge [sflag:s1], $0x3F00  }
0xa5: {  	[sflag:s1] =	ssyncset.done $0x0  }
0xa6: {  	p0 =	por $0x0, $0x0;
	s19 =	simm.s32 $0x3D;
	[sflag:s1] =	ssyncadd.s32 $0xFFFFC100  }
0xa7: {  	p3 =	sgt.u32 s16, $0x18  }
.Ltmp6:
0xa8: {  	_ = 	snop;
	(pc) =	sbr.rel @p3 .LBB2_8-.Ltmp6, $4  }
0xa9: {  	s6 =	sadd.s32 $0xFFFFC100, s10  }
0xaa: {  	[tilespmem:s4], [sflag:$0x1] =	stream.strided.gather [hbm4b:s6+s29], $0x3F00, s30, s29, $0x38;
	[tilespmem:$0xFE00] =	vst v63  }
0xab: {  	s6 =	sadd.s32 $0xFFFFFFFD, s3  }
0xac: {  	s19 =	sshll.u32 s16, $0x1;
	p2 =	sgt.u32 s6, $0x2F  }
0xad: {  	s5 =	simm.s32 $0x7  }
0xae: {  	_ =	swait.ge [sflag:s5], $0x1000  }
0xaf: {  	[sflag:s5] =	ssyncset.done $0x0  }
0xb0: {  	s26 =	simm.s32 @!p2 $0xB;
	[sflag:s5] =	ssyncadd.s32 $0xFFFFF000  }
0xb1: {  	_ =	swait.ge @!p2 [sflag:s26], $0x1000  }
0xb2: {  	[sflag:s26] =	ssyncset.done @!p2 $0x0  }
0xb3: {  	[sflag:s26] =	ssyncadd.s32 @!p2 $0xFFFFF000;
	p2 =	sgt.u32 s6, $0x31  }
.Ltmp7:
0xb4: {  	_ = 	snop;
	(pc) =	sbr.rel @!p2 .LBB2_10-.Ltmp7, $4  }
.Ltmp8:
0xb5: {  	_ = 	snop;
	(pc) =	sbr.rel @p2 .LBB2_7-.Ltmp8, $4  }
0xb6: {  	s11 =	simm.s32 $0xBE00;
	s5 =	simm.s32 $0x7E00;
	s26 =	simm.s32 $0x1000  }
0xb7: {  	[tilespmem:s11], [sflag:$0x3] =	stream.indirect.gather [hbm4b:s9+s26], $0x1, s5, s26, $0xb8;
	[tilespmem:$0xFE00] =	vst v63  }
0xb8: {  	s11 =	simm.s32 $0xCE00  }
0xb9: {  	_ = 	snop  }
.LBB2_8:
.Ltmp9:
0xba: {  	(pc) =	sbr.rel @p2 .LBB2_12-.Ltmp9, $1  }
0xbb: {  	_ =	sdelay $0x3  }
.Ltmp10:
0xbc: {  	(pc) =	sbr.rel .LBB2_10-.Ltmp10, $4  }
0xbd: {  	s5 =	simm.s32 $0xB  }
0xbe: {  	_ =	swait.ge [sflag:s5], $0x1000  }
0xbf: {  	[sflag:s5] =	ssyncset.done $0x0  }
0xc0: {  	[sflag:s5] =	ssyncadd.s32 $0xFFFFF000  }
.LBB2_12:
0xc1: {  	p2 =	slt.u32 s6, $0x32  }
.Ltmp11:
0xc2: {  	_ = 	snop;
	(pc) =	sbr.rel @!p2 .LBB2_13-.Ltmp11, $1  }
0xc3: {  	_ =	sdelay $0x3  }
.LBB2_10:
0xc4: {  	_ =	swait.ge [sflag:s28], $0x1000;
	p2 =	slt.u32 s16, $0x19  }
.Ltmp12:
0xc5: {  	[sflag:s28] =	ssyncset.done $0x0;
	(pc) =	sbr.rel @p2 .LBB2_7-.Ltmp12, $4  }
0xc6: {  	s6 =	sshrl.u32 s17, $0x3;
	s5 =	rddreg [dreg:$0x3]  }
0xc7: {  	s6 =	sadd.s32 s5, s6  }
0xc8: {  	[sflag:s28] =	ssyncadd.s32 $0xFFFFF000;
	s6 =	sadd.s32 s13, s6  }
0xc9: {  	[hbm4b:s6+s29] =	stream.strided.scatter [tilespmem:s11], [sflag:$0xC], $0x1000, s30, s29, $0x38;
	[tilespmem:$0xFE00] =	vst v63  }
.Ltmp13:
0xca: {  	(pc) =	sbr.rel .LBB2_14-.Ltmp13, $2  }
0xcb: {  	_ =	sdelay $0x2  }
0xcc: {  	s19 =	sor.u32 $0x1, s19  }
.LBB2_13:
.Ltmp14:
0xcd: {  	(pc) =	sbr.rel .LBB2_14-.Ltmp14, $2  }
0xce: {  	_ =	sdelay $0x2  }
0xcf: {  	s19 =	sor.u32 $0x1, s19  }
.LBB2_15:
0xd0: {  	s3 =	simm.s32 $0x0;
	s5 =	rddreg [dreg:$0xb]  }
0xd1: {  	[tilespmem:s3], [sflag:$0xF] =	stream.linear.gather [hbm4b:s5+s3], $0x80, $0x38;
	[tilespmem:$0xFE00] =	vst v63  }
0xd2: {  	_ =	swait.ge [sflag:s1], $0x80  }
0xd3: {  	[sflag:s1] =	ssyncset.done $0x0  }
0xd4: {  	s17 =	rddreg [dreg:$0xc];
	[sflag:s1] =	ssyncadd.s32 $0xFFFFFF80  }
0xd5: {  	[hbm4b:s17+s3] =	stream.linear.scatter [tilespmem:s3], [sflag:$0xF], $0x80, $0x38;
	[tilespmem:$0xFE00] =	vst v63  }
0xd6: {  	_ =	swait.ge [sflag:s1], $0x80  }
0xd7: {  	[sflag:s1] =	ssyncset.done $0x0  }
0xd8: {  	s6 =	simm.s32 $0x7E00;
	[sflag:s1] =	ssyncadd.s32 $0xFFFFFF80  }
0xd9: {  	[tilespmem:s6], [sflag:$0x7] =	stream.strided.gather [hbm4b:s2+s29], $0x1000, s30, s29, $0x38;
	[tilespmem:$0xFE00] =	vst v63  }
0xda: {  	s8 =	simm.s32 $0x8E00;
	s18 =	rddreg [dreg:$0xd]  }
0xdb: {  	[tilespmem:s8], [sflag:$0x8] =	stream.strided.gather [hbm4b:s18+s29], $0x1000, s30, s29, $0x38;
	[tilespmem:$0xFE00] =	vst v63  }
0xdc: {  	s10 =	simm.s32 $0x9E00;
	s19 =	rddreg [dreg:$0xe]  }
0xdd: {  	[tilespmem:s10], [sflag:$0x9] =	stream.strided.gather [hbm4b:s19+s29], $0x1000, s30, s29, $0x38;
	[tilespmem:$0xFE00] =	vst v63  }
0xde: {  	s14 =	simm.s32 $0xAE00;
	s26 =	simm.s32 $0xB;
	s21 =	rddreg [dreg:$0xf]  }
0xdf: {  	[tilespmem:s14], [sflag:$0xA] =	stream.strided.gather [hbm4b:s21+s29], $0x1000, s30, s29, $0x38;
	[tilespmem:$0xFE00] =	vst v63  }
0xe0: {  	_ =	swait.ge [sflag:s26], $0x1000  }
0xe1: {  	[sflag:s26] =	ssyncset.done $0x0  }
0xe2: {  	s14 =	simm.s32 $0x7;
	[sflag:s26] =	ssyncadd.s32 $0xFFFFF000  }
0xe3: {  	_ =	swait.ge [sflag:s14], $0x1000  }
0xe4: {  	s16 =	simm.s32 $0xBE00;
	[sflag:s14] =	ssyncset.done $0x0  }
0xe5: {  	s17 =	simm.s32 $0xC;
	s26 =	simm.s32 $0x1000;
	[sflag:s14] =	ssyncadd.s32 $0xFFFFF000  }
0xe6: {  	[tilespmem:s16], [sflag:$0x3] =	stream.indirect.gather [hbm4b:s15+s26], $0x1, s6, s26, $0xb8;
	[tilespmem:$0xFE00] =	vst v63  }
0xe7: {  	_ =	swait.ge [sflag:s17], $0x1000  }
0xe8: {  	[sflag:s17] =	ssyncset.done $0x0  }
0xe9: {  	s18 =	simm.s32 $0x8;
	[sflag:s17] =	ssyncadd.s32 $0xFFFFF000  }
0xea: {  	_ =	swait.ge [sflag:s18], $0x1000  }
0xeb: {  	[sflag:s18] =	ssyncset.done $0x0  }
0xec: {  	s19 =	simm.s32 $0x9;
	[sflag:s18] =	ssyncadd.s32 $0xFFFFF000  }
0xed: {  	[tilespmem:s11], [sflag:$0x4] =	stream.indirect.gather [hbm4b:s15+s26], $0x1, s8, s26, $0xb8;
	[tilespmem:$0xFE00] =	vst v63  }
.Ltmp15:
0xee: {  	_ =	swait.ge [sflag:s19], $0x1000;
	(pc) =	sbr.rel .LBB2_16-.Ltmp15, $4  }
0xef: {  	[sflag:s19] =	ssyncset.done $0x0  }
0xf0: {  	s21 =	simm.s32 $0xDE00;
	s8 =	simm.s32 $0xE00;
	[sflag:s19] =	ssyncadd.s32 $0xFFFFF000  }
0xf1: {  	[tilespmem:s21], [sflag:$0x5] =	stream.indirect.gather [hbm4b:s15+s26], $0x1, s10, s26, $0xb8;
	[tilespmem:$0xFE00] =	vst v63  }
0xf2: {  	s10 =	simm.s32 $0x3;
	s21 =	simm.s32 $0x70;
	s17 =	rddreg [dreg:$0x3]  }
.LBB2_17:
0xf3: {  	_ =	swait.ge [sflag:s25], $0x1000  }
0xf4: {  	[sflag:s25] =	ssyncset.done $0x0  }
0xf5: {  	[sflag:s25] =	ssyncadd.s32 $0xFFFFF000  }
.LBB2_19:
0xf6: {  	_ =	swait.ge [sflag:s22], $0x1000  }
0xf7: {  	[sflag:s22] =	ssyncset.done $0x0  }
0xf8: {  	s5 =	simm.s32 $0xAE00;
	s6 =	simm.s32 $0xEE00;
	[sflag:s22] =	ssyncadd.s32 $0xFFFFF000  }
0xf9: {  	[tilespmem:s6], [sflag:$0x6] =	stream.indirect.gather [hbm4b:s15+s26], $0x1, s5, s26, $0xb8;
	[tilespmem:$0xFE00] =	vst v63  }
.LBB2_20:
0xfa: {  	_ =	swait.ge [sflag:s12], $0x1000  }
0xfb: {  	s5 =	sadd.s32 s20, s17;
	[sflag:s12] =	ssyncset.done $0x0  }
0xfc: {  	s6 =	simm.s32 $0xBE00;
	p0 =	seq.s32 s8, $0x6E00;
	[sflag:s12] =	ssyncadd.s32 $0xFFFFF000  }
0xfd: {  	[hbm4b:s5+s29] =	stream.strided.scatter [tilespmem:s6], [sflag:$0xB], $0x1000, s30, s29, $0x38;
	[tilespmem:$0xFE00] =	vst v63  }
0xfe: {  	s6 =	sadd.s32 @!p0 $0xFFFFFFD0, s21  }
0xff: {  	s14 =	sadd.s32 @!p0 $0xFFFFFA00, s8;
	s6 =	sand.u32 @!p0 $0x40, s6  }
0x100: {  	s16 =	simm.s32 @!p0 $0x400;
	s14 =	sand.u32 @!p0 $0xF000, s14;
	s6 =	sadd.s32 @!p0 s2, s6  }
0x101: {  	s18 =	simm.s32 @!p0 $0x7E00;
	s6 =	sadd.s32 @!p0 s14, s6;
	s14 =	simm.s32 @!p0 $0x80  }
0x102: {  	[tilespmem:s18], [sflag:$0x7] =	stream.strided.gather @!p0 [hbm4b:s6+s14], $0x1000, s16, s14, $0x38;
	[tilespmem:$0xFE00] =	vst v63  }
0x103: {  	s6 =	simm.s32 @!p0 $0xB  }
0x104: {  	_ =	swait.ge @!p0 [sflag:s6], $0x1000  }
0x105: {  	[sflag:s6] =	ssyncset.done @!p0 $0x0  }
0x106: {  	[sflag:s6] =	ssyncadd.s32 @!p0 $0xFFFFF000;
	s6 =	simm.s32 @!p0 $0x7  }
0x107: {  	_ =	swait.ge @!p0 [sflag:s6], $0x1000  }
0x108: {  	[sflag:s6] =	ssyncset.done @!p0 $0x0  }
0x109: {  	s19 =	simm.s32 @!p0 $0xBE00;
	[sflag:s6] =	ssyncadd.s32 @!p0 $0xFFFFF000;
	s6 =	simm.s32 @!p0 $0x1000  }
0x10a: {  	[tilespmem:s19], [sflag:$0x3] =	stream.indirect.gather @!p0 [hbm4b:s15+s6], $0x1, s18, s6, $0xb8;
	[tilespmem:$0xFE00] =	vst v63  }
0x10b: {  	_ =	swait.ge [sflag:s28], $0x1000  }
0x10c: {  	[sflag:s28] =	ssyncset.done $0x0  }
0x10d: {  	s5 =	sadd.s32 $0x8000, s5;
	[sflag:s28] =	ssyncadd.s32 $0xFFFFF000  }
0x10e: {  	[hbm4b:s5+s29] =	stream.strided.scatter [tilespmem:s11], [sflag:$0xC], $0x1000, s30, s29, $0x38;
	[tilespmem:$0xFE00] =	vst v63  }
0x10f: {  	s5 =	sadd.s32 @!p0 $0xFFFFFFE0, s21  }
0x110: {  	s18 =	sadd.s32 @!p0 $0xFFFFFC00, s8;
	s5 =	sand.u32 @!p0 $0x50, s5  }
0x111: {  	s18 =	sand.u32 @!p0 $0xF000, s18;
	s5 =	sadd.s32 @!p0 s2, s5  }
0x112: {  	s5 =	sadd.s32 @!p0 s18, s5;
	s18 =	simm.s32 @!p0 $0x8E00  }
0x113: {  	[tilespmem:s18], [sflag:$0x8] =	stream.strided.gather @!p0 [hbm4b:s5+s14], $0x1000, s16, s14, $0x38;
	[tilespmem:$0xFE00] =	vst v63  }
0x114: {  	s5 =	simm.s32 @!p0 $0xC  }
0x115: {  	_ =	swait.ge @!p0 [sflag:s5], $0x1000  }
0x116: {  	[sflag:s5] =	ssyncset.done @!p0 $0x0  }
0x117: {  	[sflag:s5] =	ssyncadd.s32 @!p0 $0xFFFFF000;
	s5 =	simm.s32 @!p0 $0x8  }
0x118: {  	s14 =	sadd.s32 @!p0 $0xFFFFFFFF, s10;
	_ =	swait.ge @!p0 [sflag:s5], $0x1000  }
0x119: {  	p1 =	sgt.u32 @!p0 s14, $0x31;
	[sflag:s5] =	ssyncset.done @!p0 $0x0  }
0x11a: {  	p1 =	por p1, p0;
	[sflag:s5] =	ssyncadd.s32 @!p0 $0xFFFFF000;
	s5 =	simm.s32 @!p0 $0xCE00  }
0x11b: {  	[tilespmem:s5], [sflag:$0x4] =	stream.indirect.gather @!p0 [hbm4b:s15+s6], $0x1, s18, s6, $0xb8;
	[tilespmem:$0xFE00] =	vst v63  }
0x11c: {  	s5 =	simm.s32 @!p1 $0x5  }
0x11d: {  	s14 =	simm.s32 @!p1 $0x400;
	_ =	swait.ge @!p1 [sflag:s5], $0x1000  }
0x11e: {  	s16 =	simm.s32 @!p1 $0xDE00;
	s6 =	sadd.s32 @!p1 s20, s17;
	[sflag:s5] =	ssyncset.done @!p1 $0x0  }
0x11f: {  	[sflag:s5] =	ssyncadd.s32 @!p1 $0xFFFFF000;
	s5 =	sadd.s32 @!p1 $0x10000, s6;
	s6 =	simm.s32 @!p1 $0x80  }
0x120: {  	[hbm4b:s5+s6] =	stream.strided.scatter @!p1 [tilespmem:s16], [sflag:$0xD], $0x1000, s14, s6, $0x38;
	[tilespmem:$0xFE00] =	vst v63  }
0x121: {  	p1 =	sgt.u32 @!p0 s3, $0xA  }
0x122: {  	p2 =	por p1, p0  }
0x123: {  	s5 =	sadd.s32 @!p2 $0xFFFFFFF0, s21  }
0x124: {  	s6 =	sadd.s32 @!p2 $0xFFFFFE00, s8;
	s5 =	sand.u32 @!p2 $0x60, s5  }
0x125: {  	s14 =	simm.s32 @!p2 $0x400;
	s6 =	sand.u32 @!p2 $0xF000, s6;
	s5 =	sadd.s32 @!p2 s2, s5  }
0x126: {  	s16 =	simm.s32 @!p2 $0x9E00;
	s5 =	sadd.s32 @!p2 s6, s5;
	s6 =	simm.s32 @!p2 $0x80  }
0x127: {  	[tilespmem:s16], [sflag:$0x9] =	stream.strided.gather @!p2 [hbm4b:s5+s6], $0x1000, s14, s6, $0x38;
	[tilespmem:$0xFE00] =	vst v63  }
0x128: {  	s5 =	simm.s32 @!p2 $0xD  }
0x129: {  	_ =	swait.ge @!p2 [sflag:s5], $0x1000  }
0x12a: {  	[sflag:s5] =	ssyncset.done @!p2 $0x0  }
0x12b: {  	[sflag:s5] =	ssyncadd.s32 @!p2 $0xFFFFF000;
	s5 =	simm.s32 @!p2 $0x9  }
0x12c: {  	p3 =	sgt.u32 s10, $0x31;
	p4 =	por @!p0 $0x0, $0x0;
	_ =	swait.ge @!p2 [sflag:s5], $0x1000  }
0x12d: {  	p1 =	por !p1, p0;
	s6 =	simm.s32 @!p2 $0xDE00;
	[sflag:s5] =	ssyncset.done @!p2 $0x0  }
0x12e: {  	s14 =	simm.s32 @!p3 $0x400;
	[sflag:s5] =	ssyncadd.s32 @!p2 $0xFFFFF000;
	s5 =	simm.s32 @!p2 $0x1000  }
0x12f: {  	[tilespmem:s6], [sflag:$0x5] =	stream.indirect.gather @!p2 [hbm4b:s15+s5], $0x1, s16, s5, $0xb8;
	[tilespmem:$0xFE00] =	vst v63  }
0x130: {  	p2 =	por @!p2 $0x1, $0x1;
	s5 =	simm.s32 @!p3 $0x6;
	s6 =	sadd.s32 @!p3 s20, s17  }
0x131: {  	p2 =	por @!p1 p4, p4;
	_ =	swait.ge @!p3 [sflag:s5], $0x1000;
	p1 =	por $0x0, $0x0  }
0x132: {  	s16 =	simm.s32 @!p3 $0xEE00;
	[sflag:s5] =	ssyncset.done @!p3 $0x0;
	p1 =	por @!p0 p2, p2  }
0x133: {  	[sflag:s5] =	ssyncadd.s32 @!p3 $0xFFFFF000;
	s5 =	sadd.s32 @!p3 $0x18000, s6;
	s6 =	simm.s32 @!p3 $0x80  }
0x134: {  	[hbm4b:s5+s6] =	stream.strided.scatter @!p3 [tilespmem:s16], [sflag:$0xE], $0x1000, s14, s6, $0x38;
	[tilespmem:$0xFE00] =	vst v63  }
0x135: {  	s6 =	sand.u32 @p1 $0xF000, s8;
	s8 =	sadd.s32 $0x800, s8  }
0x136: {  	p0 =	sne.s32 s8, $0x7600  }
.Ltmp16:
0x137: {  	s10 =	sadd.s32 $0x4, s10;
	(pc) =	sbr.rel @!p0 .LBB2_21-.Ltmp16, $4  }
0x138: {  	s3 =	sadd.s32 $0x1, s3;
	s17 =	sadd.s32 $0x20000, s17;
	s5 =	sand.u32 @p1 $0x70, s21  }
0x139: {  	s14 =	simm.s32 @p1 $0x400;
	s16 =	simm.s32 @p1 $0xAE00;
	s5 =	sadd.s32 @p1 s2, s5  }
0x13a: {  	s21 =	sadd.s32 $0x40, s21;
	s5 =	sadd.s32 @p1 s6, s5;
	s6 =	simm.s32 @p1 $0x80  }
0x13b: {  	[tilespmem:s16], [sflag:$0xA] =	stream.strided.gather @p1 [hbm4b:s5+s6], $0x1000, s14, s6, $0x38;
	[tilespmem:$0xFE00] =	vst v63  }
.LBB2_16:
0x13c: {  	p0 =	seq.s32 s8, $0xE00  }
0x13d: {  	p1 =	sgt.u32 @!p0 s10, $0x31  }
0x13e: {  	p0 =	por p0, p1  }
.Ltmp17:
0x13f: {  	_ = 	snop;
	(pc) =	sbr.rel @!p0 .LBB2_17-.Ltmp17, $1  }
0x140: {  	_ =	sdelay $0x3  }
0x141: {  	p0 =	sne.s32 s8, $0xE00  }
.Ltmp18:
0x142: {  	_ = 	snop;
	(pc) =	sbr.rel @p0 .LBB2_20-.Ltmp18, $4  }
.Ltmp19:
0x143: {  	_ = 	snop;
	(pc) =	sbr.rel @!p0 .LBB2_19-.Ltmp19, $4  }
0x144: {  	_ = 	snop  }
0x145: {  	_ = 	snop  }
0x146: {  	_ = 	snop  }
0x147: {  	_ = 	snop  }
.LBB2_22:
0x148: {  	_ =	sfence.sel $0x180000  }
0x149: {  	[bflag:$0x0] =	sbarrier.arrive $0xFFFF  }
0x14a: {  	_ =	strace $0x90000047  }
0x14b: {  	s0 =	stileid.u32;
	[bflag:$0x2] =	sbarrier.arrive $0xFFFF  }
0x14c: {  	p0 =	sne.s32 s0, $0x0;
	s0 =	rddreg [dreg:$0x4]  }
0x14d: {  	s0 =	sadd.s32 @!p0 $0x100000, s0  }
0x14e: {  	[sflag:s0] =	ssyncadd.tile.s32 @!p0 $0x1;
	_ =	shalt  }
.Lfunc_end2:
_tile_overlayer_lowered:
.L_overlay_start_2:
0x14f: {  	(tag) =	ssettag $0x2  }
0x150: {  	s0 =	rddreg [dreg:$0x0];
	s2 =	stileid.u32  }
0x151: {  	s1 =	rddreg [dreg:$0x1];
	p0 =	sne.s32 s2, $0x0  }
0x152: {  	s3 =	rddreg [dreg:$0x2];
	[bflag:$0x3] =	sbarrier.arrive $0xFFFF;
	s2 =	simm.s32 @!p0 $0x1C0F  }
0x153: {  	[timem:s3], [sflag:s2] =	dma.local @!p0 [hbm:s0], s1  }
0x154: {  	s0 =	simm.s32 @!p0 $0xF  }
0x155: {  	_ =	swait.ge @!p0 [sflag:s0], s1  }
0x156: {  	s1 =	ssub.s32 @!p0 $0x0, s1;
	[sflag:s0] =	ssyncset.done @!p0 $0x0  }
0x157: {  	[sflag:s0] =	ssyncadd.s32 @!p0 s1  }
0x158: {  	[bflag:$0x3] =	sbarrier.arrive $0xFFFF  }
0x159: {  	_ =	shalt  }

</sc_bundles>
